<compile_context>
chip_gen: v7x
topology: tpu7x:2x2x1
jax: 0.10.2.dev20260603
libtpu: 0.0.44.dev20260713+nightly
codegen_flags: <defaults>
</compile_context>

<pallas_src>
import math

import jax
import jax.numpy as jnp
from jax import lax
from jax.experimental import pallas as pl
from jax.experimental.pallas import tpu as pltpu
from jax.experimental.pallas import tpu_sc as plsc

_C0 = math.sqrt(2.0 / math.pi)
_C1 = 0.044715
_B1 = _C0 * _C1

_D = 2048
_ROWS = 2 * 8192
_SC_ROWS = 1024
_TC_ROWS = _ROWS - _SC_ROWS


_TCHUNK = 256
_TNBUF = 6


def _tc_gelu(x):
    t = x * x
    u = _B1 * t + _C0
    th = jnp.tanh(x * u)
    h = 0.5 * x
    return h * th + h


def _tc_fn(x_hbm, o_hbm, txb, tob, tis, tos):
    nchunks = _TC_ROWS // _TCHUNK

    def get(i, slot):
        return pltpu.make_async_copy(
            x_hbm.at[pl.ds(i * _TCHUNK, _TCHUNK), :], txb.at[slot], tis.at[slot]
        )

    def put(i, slot):
        return pltpu.make_async_copy(
            tob.at[slot], o_hbm.at[pl.ds(i * _TCHUNK, _TCHUNK), :], tos.at[slot]
        )

    for k in range(_TNBUF):
        get(k, k).start()

    def step(i, carry):
        slot = lax.rem(i, _TNBUF)
        get(i, slot).wait()

        @pl.when(i >= _TNBUF)
        def _():
            put(i - _TNBUF, slot).wait()

        tob[slot] = _tc_gelu(txb[slot])
        put(i, slot).start()

        @pl.when(i + _TNBUF < nchunks)
        def _():
            get(i + _TNBUF, slot).start()

        return carry

    lax.fori_loop(0, nchunks, step, 0)

    for k in range(_TNBUF):
        last = nchunks - _TNBUF + k
        put(last, lax.rem(jnp.int32(last), _TNBUF)).wait()



_NC = 2
_NS = 16
_NW = _NC * _NS

_RPW = _SC_ROWS // _NW
_RCH = 8
_SNCH = _RPW // _RCH
_SCH = _RCH * _D


def _sc_gelu16(v):
    t = v * v
    u = _B1 * t + _C0
    z = (v + v) * u
    e = jnp.exp(-z)
    return v / (1.0 + e)


def _sc_compute(xb, ob):
    def j_body(j, carry):
        for r in range(_RCH):
            v = xb[r, pl.ds(j * 16, 16)]
            ob[r, pl.ds(j * 16, 16)] = _sc_gelu16(v)
        return carry

    lax.fori_loop(0, _D // 16, j_body, 0)


def _sc_fn(x_hbm, o_hbm, xb0, xb1, ob0, ob1, si0, si1, so0, so1):
    wid = lax.axis_index("s") * _NC + lax.axis_index("c")
    row0 = _TC_ROWS + wid * _RPW
    orow0 = wid * _RPW

    def get(c, xb, sem):
        return pltpu.make_async_copy(
            x_hbm.at[pl.ds(row0 + c * _RCH, _RCH), :], xb, sem
        )

    def put(c, ob, sem):
        return pltpu.make_async_copy(
            ob, o_hbm.at[pl.ds(orow0 + c * _RCH, _RCH), :], sem
        )

    get(0, xb0, si0).start()
    get(1, xb1, si1).start()

    def step(g, carry):
        c0 = 2 * g
        c1 = c0 + 1

        get(c0, xb0, si0).wait()

        @pl.when(g >= 1)
        def _():
            put(c0 - 2, ob0, so0).wait()

        _sc_compute(xb0, ob0)
        put(c0, ob0, so0).start()

        @pl.when(c0 + 2 < _SNCH)
        def _():
            get(c0 + 2, xb0, si0).start()

        get(c1, xb1, si1).wait()

        @pl.when(g >= 1)
        def _():
            put(c1 - 2, ob1, so1).wait()

        _sc_compute(xb1, ob1)
        put(c1, ob1, so1).start()

        @pl.when(c1 + 2 < _SNCH)
        def _():
            get(c1 + 2, xb1, si1).start()

        return carry

    lax.fori_loop(0, _SNCH // 2, step, 0)

    put(_SNCH - 2, ob0, so0).wait()
    put(_SNCH - 1, ob1, so1).wait()



_sc_mesh = plsc.VectorSubcoreMesh(
    core_axis_name="c", subcore_axis_name="s", num_cores=_NC, num_subcores=_NS
)

_sc_call = pl.kernel(
    _sc_fn,
    out_type=jax.ShapeDtypeStruct((_SC_ROWS, _D), jnp.float32),
    mesh=_sc_mesh,
    scratch_types=[
        pltpu.VMEM((_RCH, _D), jnp.float32),
        pltpu.VMEM((_RCH, _D), jnp.float32),
        pltpu.VMEM((_RCH, _D), jnp.float32),
        pltpu.VMEM((_RCH, _D), jnp.float32),
        pltpu.SemaphoreType.DMA,
        pltpu.SemaphoreType.DMA,
        pltpu.SemaphoreType.DMA,
        pltpu.SemaphoreType.DMA,
    ],
    compiler_params=pltpu.CompilerParams(use_tc_tiling_on_sc=True),
)


def _tc_call(x2):
    return pl.pallas_call(
        _tc_fn,
        in_specs=[pl.BlockSpec(memory_space=pl.ANY)],
        out_specs=pl.BlockSpec(memory_space=pl.ANY),
        out_shape=jax.ShapeDtypeStruct((_TC_ROWS, _D), jnp.float32),
        scratch_shapes=[
            pltpu.VMEM((_TNBUF, _TCHUNK, _D), jnp.float32),
            pltpu.VMEM((_TNBUF, _TCHUNK, _D), jnp.float32),
            pltpu.SemaphoreType.DMA((_TNBUF,)),
            pltpu.SemaphoreType.DMA((_TNBUF,)),
        ],
    )(x2)


def kernel(x, log_tau, log_blend):
    b, t, d = x.shape
    x2 = x.reshape(_ROWS, d)
    sc_out = _sc_call(x2)
    tc_out = _tc_call(x2)
    out = jnp.concatenate([tc_out, sc_out], axis=0)
    return out.reshape(b, t, d)

# --- scband reference (transcript-rebuilt; emitter-appended) ---
"""Pipeline reference for scband-gelu236-23648089932104 (READ-ONLY COPY).

The authoritative reference and input builder live on the scoring server;
editing this copy changes nothing except your own understanding.
"""

import math
import jax
import jax.numpy as jnp
import numpy as np

BUFFER_SIZE = 512
B, T, D = 2, 8192, 2048


def setup_inputs(seed: int = 0) -> dict:
    key = jax.random.key(seed)
    kx = jax.random.fold_in(key, 1)
    x = jax.random.normal(kx, (B, T, D), dtype=jnp.float32)
    # learned parameters of GELU236
    log_tau = jnp.array(math.log(4.0), dtype=jnp.float32)
    log_blend = jnp.array(0.0, dtype=jnp.float32)
    return {"x": x, "log_tau": log_tau, "log_blend": log_blend}


def _gelu(x):
    return 0.5 * x * (1.0 + jnp.tanh(math.sqrt(2.0 / math.pi) * (x + 0.044715 * jnp.power(x, 3))))


def _normalize(v, axis=-1, eps=1e-12):
    n = jnp.linalg.norm(v, axis=axis, keepdims=True)
    return v / jnp.maximum(n, eps)


def reference(x, log_tau, log_blend):
    # Faithful translation of a single forward call on a freshly-constructed
    # (or reset) GELU236 module: self._ready is False, so the module takes the
    # initialization branch: it computes out = gelu(x), scatter-writes the
    # normalized mean activation into slot 0 of the N=512 ring buffer (under
    # no_grad), and returns out unmodified. tau / alpha are computed but do
    # not influence the first-call output.
    tau = jnp.exp(log_tau)
    alpha = jax.nn.sigmoid(log_blend)
    out = _gelu(x)
    # no_grad ring-buffer initialization (scatter write; does not affect output)
    d = x.shape[-1]
    m_curr = jax.lax.stop_gradient(out).reshape(-1, d).mean(axis=0)
    m_n = _normalize(m_curr, axis=0)
    buf = jnp.zeros((BUFFER_SIZE, d), dtype=out.dtype).at[0].set(m_n)
    mask = jnp.zeros((BUFFER_SIZE,), dtype=bool).at[0].set(True)
    _ = (tau, alpha, buf, mask)
    return out

if __name__ == "__main__":
    import jax
    _d = setup_inputs()
    print(jax.jit(kernel)(*tuple(_d.values())))

</pallas_src>

<mosaic_0001>
#map = affine_map<(d0, d1) -> (0, 0)>
module attributes {stable_mosaic.version = 14 : i64} {
  func.func @_sc_fn(%arg0: i32, %arg1: i32, %arg2: memref<16384x2048xf32, #tpu.memory_space<hbm>>, %arg3: memref<1024x2048xf32, #tpu.memory_space<hbm>>, %arg4: memref<8x2048xf32, #tpu.memory_space<vmem>>, %arg5: memref<8x2048xf32, #tpu.memory_space<vmem>>, %arg6: memref<8x2048xf32, #tpu.memory_space<vmem>>, %arg7: memref<8x2048xf32, #tpu.memory_space<vmem>>, %arg8: memref<!tpu.dma_semaphore, #tpu.memory_space<semaphore_mem>>, %arg9: memref<!tpu.dma_semaphore, #tpu.memory_space<semaphore_mem>>, %arg10: memref<!tpu.dma_semaphore, #tpu.memory_space<semaphore_mem>>, %arg11: memref<!tpu.dma_semaphore, #tpu.memory_space<semaphore_mem>>) attributes {dimension_semantics = [#tpu.dimension_semantics<core_parallel>, #tpu.dimension_semantics<subcore_parallel>], iteration_bounds = array<i64: 2, 16>, scalar_prefetch = 0 : i64, scratch_operands = 8 : i64, tpu.core_type = #tpu.core_type<sc_vector_subcore>, window_params = [{transform_indices = #map}, {transform_indices = #map}]} {
    %mul3A = arith.constant 2 : i32
    %mul3A_0 = arith.muli %arg1, %mul3A : i32
    %add3A = arith.addi %mul3A_0, %arg0 : i32
    %mul3A_1 = arith.constant 32 : i32
    %mul3A_2 = arith.muli %add3A, %mul3A_1 : i32
    %add3A_3 = arith.constant 15360 : i32
    %add3A_4 = arith.addi %add3A_3, %mul3A_2 : i32
    %mul3A_5 = arith.constant 32 : i32
    %mul3A_6 = arith.muli %add3A, %mul3A_5 : i32
    %add3A_7 = arith.constant 0 : i32
    %add3A_8 = arith.addi %add3A_4, %add3A_7 : i32
    %dma_start3A = arith.constant 0 : i32
    %dma_start3A_9 = tpu.memref_slice %arg2[%add3A_8, %dma_start3A] : memref<16384x2048xf32, #tpu.memory_space<hbm>> -> memref<8x2048xf32, #tpu.memory_space<hbm>>
    %dma_start3A_10 = arith.constant 0 : i32
    %dma_start3A_11 = tpu.memref_slice %arg2[%add3A_8, %dma_start3A_10] : memref<16384x2048xf32, #tpu.memory_space<hbm>> -> memref<8x2048xf32, #tpu.memory_space<hbm>>
    tpu.enqueue_dma source(%dma_start3A_11 : memref<8x2048xf32, #tpu.memory_space<hbm>>) target(%arg4 : memref<8x2048xf32, #tpu.memory_space<vmem>>) target_semaphore(%arg8 : memref<!tpu.dma_semaphore, #tpu.memory_space<semaphore_mem>>)
    %add3A_12 = arith.constant 8 : i32
    %add3A_13 = arith.addi %add3A_4, %add3A_12 : i32
    %dma_start3A_14 = arith.constant 0 : i32
    %dma_start3A_15 = tpu.memref_slice %arg2[%add3A_13, %dma_start3A_14] : memref<16384x2048xf32, #tpu.memory_space<hbm>> -> memref<8x2048xf32, #tpu.memory_space<hbm>>
    %dma_start3A_16 = arith.constant 0 : i32
    %dma_start3A_17 = tpu.memref_slice %arg2[%add3A_13, %dma_start3A_16] : memref<16384x2048xf32, #tpu.memory_space<hbm>> -> memref<8x2048xf32, #tpu.memory_space<hbm>>
    tpu.enqueue_dma source(%dma_start3A_17 : memref<8x2048xf32, #tpu.memory_space<hbm>>) target(%arg5 : memref<8x2048xf32, #tpu.memory_space<vmem>>) target_semaphore(%arg9 : memref<!tpu.dma_semaphore, #tpu.memory_space<semaphore_mem>>)
    %scan3A = arith.constant 0 : i32
    %scan3A_18 = arith.constant 0 : i32
    %scan3A_19 = arith.constant 2 : i32
    %scan3A_20 = arith.addi %scan3A_18, %scan3A_19 : i32
    %scan3A_21 = arith.constant 1 : i32
    scf.for %scan3A_34 = %scan3A_18 to %scan3A_20 step %scan3A_21  : i32 {
      %mul3A_35 = arith.constant 2 : i32
      %mul3A_36 = arith.muli %mul3A_35, %scan3A_34 : i32
      %add3A_37 = arith.constant 1 : i32
      %add3A_38 = arith.addi %mul3A_36, %add3A_37 : i32
      %mul3A_39 = arith.constant 8 : i32
      %mul3A_40 = arith.muli %mul3A_36, %mul3A_39 : i32
      %add3A_41 = arith.addi %add3A_4, %mul3A_40 : i32
      %dma_wait3A_42 = arith.constant 0 : i32
      %dma_wait3A_43 = tpu.memref_slice %arg2[%add3A_41, %dma_wait3A_42] : memref<16384x2048xf32, #tpu.memory_space<hbm>> -> memref<8x2048xf32, #tpu.memory_space<hbm>>
      %dma_wait3A_44 = arith.constant 0 : i32
      %dma_wait3A_45 = tpu.memref_slice %arg2[%add3A_41, %dma_wait3A_44] : memref<16384x2048xf32, #tpu.memory_space<hbm>> -> memref<8x2048xf32, #tpu.memory_space<hbm>>
      tpu.wait_dma2 semaphore(%arg8 : memref<!tpu.dma_semaphore, #tpu.memory_space<semaphore_mem>>) src(%dma_wait3A_45 : memref<8x2048xf32, #tpu.memory_space<hbm>>) dst(%arg4 : memref<8x2048xf32, #tpu.memory_space<vmem>>)
      %ge3A = arith.constant 1 : i32
      %ge3A_46 = arith.cmpi sge, %scan3A_34, %ge3A : i32
      %convert_element_type3A = arith.extui %ge3A_46 : i1 to i32
      %cond3A = arith.constant 0 : i32
      %cond3A_47 = arith.cmpi ne, %convert_element_type3A, %cond3A : i32
      scf.if %cond3A_47 {
        %sub3A = arith.constant 2 : i32
        %sub3A_99 = arith.subi %mul3A_36, %sub3A : i32
        %mul3A_100 = arith.constant 8 : i32
        %mul3A_101 = arith.muli %sub3A_99, %mul3A_100 : i32
        %add3A_102 = arith.addi %mul3A_6, %mul3A_101 : i32
        %dma_wait3A_103 = arith.constant 0 : i32
        %dma_wait3A_104 = tpu.memref_slice %arg3[%add3A_102, %dma_wait3A_103] : memref<1024x2048xf32, #tpu.memory_space<hbm>> -> memref<8x2048xf32, #tpu.memory_space<hbm>>
        %dma_wait3A_105 = arith.constant 0 : i32
        %dma_wait3A_106 = tpu.memref_slice %arg3[%add3A_102, %dma_wait3A_105] : memref<1024x2048xf32, #tpu.memory_space<hbm>> -> memref<8x2048xf32, #tpu.memory_space<hbm>>
        tpu.wait_dma2 semaphore(%arg10 : memref<!tpu.dma_semaphore, #tpu.memory_space<semaphore_mem>>) src(%arg6 : memref<8x2048xf32, #tpu.memory_space<vmem>>) dst(%dma_wait3A_106 : memref<8x2048xf32, #tpu.memory_space<hbm>>)
      } else {
      }
      %scan3A_48 = arith.constant 0 : i32
      %scan3A_49 = arith.constant 0 : i32
      %scan3A_50 = arith.constant 128 : i32
      %scan3A_51 = arith.addi %scan3A_49, %scan3A_50 : i32
      %scan3A_52 = arith.constant 1 : i32
      scf.for %scan3A_99 = %scan3A_49 to %scan3A_51 step %scan3A_52  : i32 {
        %mul3A_100 = arith.constant 16 : i32
        %mul3A_101 = arith.muli %scan3A_99, %mul3A_100 : i32
        %get3A = arith.constant 0 : i32
        %get3A_102 = arith.index_cast %get3A : i32 to index
        %get3A_103 = arith.index_cast %mul3A_101 : i32 to index
        %get3A_104 = tpu.vector_load %arg4[%get3A_102, %get3A_103] {strides = array<i32>} : memref<8x2048xf32, #tpu.memory_space<vmem>>, vector<1x16xf32>,
        %get3A_105 = vector.shape_cast %get3A_104 : vector<1x16xf32> to vector<16xf32>
        %mul3A_106 = arith.mulf %get3A_105, %get3A_105 : vector<16xf32>
        %mul3A_107 = arith.constant 0.0356774069 : f32
        %mul3A_108 = vector.broadcast %mul3A_107 : f32 to vector<16xf32>
        %mul3A_109 = arith.mulf %mul3A_108, %mul3A_106 : vector<16xf32>
        %add3A_110 = arith.constant 0.797884583 : f32
        %add3A_111 = vector.broadcast %add3A_110 : f32 to vector<16xf32>
        %add3A_112 = arith.addf %mul3A_109, %add3A_111 : vector<16xf32>
        %add3A_113 = arith.addf %get3A_105, %get3A_105 : vector<16xf32>
        %mul3A_114 = arith.mulf %add3A_113, %add3A_112 : vector<16xf32>
        %neg3A = arith.constant 0.000000e+00 : f32
        %neg3A_115 = vector.broadcast %neg3A : f32 to vector<16xf32>
        %neg3A_116 = arith.subf %neg3A_115, %mul3A_114 : vector<16xf32>
        %exp3A = math.exp %neg3A_116 : vector<16xf32>
        %add3A_117 = arith.constant 1.000000e+00 : f32
        %add3A_118 = vector.broadcast %add3A_117 : f32 to vector<16xf32>
        %add3A_119 = arith.addf %add3A_118, %exp3A : vector<16xf32>
        %div3A = arith.divf %get3A_105, %add3A_119 : vector<16xf32>
        %mul3A_120 = arith.constant 16 : i32
        %mul3A_121 = arith.muli %scan3A_99, %mul3A_120 : i32
        %swap3A = arith.constant 0 : i32
        %swap3A_122 = arith.index_cast %swap3A : i32 to index
        %swap3A_123 = arith.index_cast %mul3A_121 : i32 to index
        %swap3A_124 = tpu.vector_load %arg6[%swap3A_122, %swap3A_123] {strides = array<i32>} : memref<8x2048xf32, #tpu.memory_space<vmem>>, vector<1x16xf32>,
        %swap3A_125 = vector.shape_cast %swap3A_124 : vector<1x16xf32> to vector<16xf32>
        %swap3A_126 = vector.shape_cast %div3A : vector<16xf32> to vector<1x16xf32>
        tpu.vector_store %arg6[%swap3A_122, %swap3A_123], %swap3A_126 {strides = array<i32>} : memref<8x2048xf32, #tpu.memory_space<vmem>>, vector<1x16xf32>,
        %mul3A_127 = arith.constant 16 : i32
        %mul3A_128 = arith.muli %scan3A_99, %mul3A_127 : i32
        %get3A_129 = arith.constant 1 : i32
        %get3A_130 = arith.index_cast %get3A_129 : i32 to index
        %get3A_131 = arith.index_cast %mul3A_128 : i32 to index
        %get3A_132 = tpu.vector_load %arg4[%get3A_130, %get3A_131] {strides = array<i32>} : memref<8x2048xf32, #tpu.memory_space<vmem>>, vector<1x16xf32>,
        %get3A_133 = vector.shape_cast %get3A_132 : vector<1x16xf32> to vector<16xf32>
        %mul3A_134 = arith.mulf %get3A_133, %get3A_133 : vector<16xf32>
        %mul3A_135 = arith.constant 0.0356774069 : f32
        %mul3A_136 = vector.broadcast %mul3A_135 : f32 to vector<16xf32>
        %mul3A_137 = arith.mulf %mul3A_136, %mul3A_134 : vector<16xf32>
        %add3A_138 = arith.constant 0.797884583 : f32
        %add3A_139 = vector.broadcast %add3A_138 : f32 to vector<16xf32>
        %add3A_140 = arith.addf %mul3A_137, %add3A_139 : vector<16xf32>
        %add3A_141 = arith.addf %get3A_133, %get3A_133 : vector<16xf32>
        %mul3A_142 = arith.mulf %add3A_141, %add3A_140 : vector<16xf32>
        %neg3A_143 = arith.constant 0.000000e+00 : f32
        %neg3A_144 = vector.broadcast %neg3A_143 : f32 to vector<16xf32>
        %neg3A_145 = arith.subf %neg3A_144, %mul3A_142 : vector<16xf32>
        %exp3A_146 = math.exp %neg3A_145 : vector<16xf32>
        %add3A_147 = arith.constant 1.000000e+00 : f32
        %add3A_148 = vector.broadcast %add3A_147 : f32 to vector<16xf32>
        %add3A_149 = arith.addf %add3A_148, %exp3A_146 : vector<16xf32>
        %div3A_150 = arith.divf %get3A_133, %add3A_149 : vector<16xf32>
        %mul3A_151 = arith.constant 16 : i32
        %mul3A_152 = arith.muli %scan3A_99, %mul3A_151 : i32
        %swap3A_153 = arith.constant 1 : i32
        %swap3A_154 = arith.index_cast %swap3A_153 : i32 to index
        %swap3A_155 = arith.index_cast %mul3A_152 : i32 to index
        %swap3A_156 = tpu.vector_load %arg6[%swap3A_154, %swap3A_155] {strides = array<i32>} : memref<8x2048xf32, #tpu.memory_space<vmem>>, vector<1x16xf32>,
        %swap3A_157 = vector.shape_cast %swap3A_156 : vector<1x16xf32> to vector<16xf32>
        %swap3A_158 = vector.shape_cast %div3A_150 : vector<16xf32> to vector<1x16xf32>
        tpu.vector_store %arg6[%swap3A_154, %swap3A_155], %swap3A_158 {strides = array<i32>} : memref<8x2048xf32, #tpu.memory_space<vmem>>, vector<1x16xf32>,
        %mul3A_159 = arith.constant 16 : i32
        %mul3A_160 = arith.muli %scan3A_99, %mul3A_159 : i32
        %get3A_161 = arith.constant 2 : i32
        %get3A_162 = arith.index_cast %get3A_161 : i32 to index
        %get3A_163 = arith.index_cast %mul3A_160 : i32 to index
        %get3A_164 = tpu.vector_load %arg4[%get3A_162, %get3A_163] {strides = array<i32>} : memref<8x2048xf32, #tpu.memory_space<vmem>>, vector<1x16xf32>,
        %get3A_165 = vector.shape_cast %get3A_164 : vector<1x16xf32> to vector<16xf32>
        %mul3A_166 = arith.mulf %get3A_165, %get3A_165 : vector<16xf32>
        %mul3A_167 = arith.constant 0.0356774069 : f32
        %mul3A_168 = vector.broadcast %mul3A_167 : f32 to vector<16xf32>
        %mul3A_169 = arith.mulf %mul3A_168, %mul3A_166 : vector<16xf32>
        %add3A_170 = arith.constant 0.797884583 : f32
        %add3A_171 = vector.broadcast %add3A_170 : f32 to vector<16xf32>
        %add3A_172 = arith.addf %mul3A_169, %add3A_171 : vector<16xf32>
        %add3A_173 = arith.addf %get3A_165, %get3A_165 : vector<16xf32>
        %mul3A_174 = arith.mulf %add3A_173, %add3A_172 : vector<16xf32>
        %neg3A_175 = arith.constant 0.000000e+00 : f32
        %neg3A_176 = vector.broadcast %neg3A_175 : f32 to vector<16xf32>
        %neg3A_177 = arith.subf %neg3A_176, %mul3A_174 : vector<16xf32>
        %exp3A_178 = math.exp %neg3A_177 : vector<16xf32>
        %add3A_179 = arith.constant 1.000000e+00 : f32
        %add3A_180 = vector.broadcast %add3A_179 : f32 to vector<16xf32>
        %add3A_181 = arith.addf %add3A_180, %exp3A_178 : vector<16xf32>
        %div3A_182 = arith.divf %get3A_165, %add3A_181 : vector<16xf32>
        %mul3A_183 = arith.constant 16 : i32
        %mul3A_184 = arith.muli %scan3A_99, %mul3A_183 : i32
        %swap3A_185 = arith.constant 2 : i32
        %swap3A_186 = arith.index_cast %swap3A_185 : i32 to index
        %swap3A_187 = arith.index_cast %mul3A_184 : i32 to index
        %swap3A_188 = tpu.vector_load %arg6[%swap3A_186, %swap3A_187] {strides = array<i32>} : memref<8x2048xf32, #tpu.memory_space<vmem>>, vector<1x16xf32>,
        %swap3A_189 = vector.shape_cast %swap3A_188 : vector<1x16xf32> to vector<16xf32>
        %swap3A_190 = vector.shape_cast %div3A_182 : vector<16xf32> to vector<1x16xf32>
        tpu.vector_store %arg6[%swap3A_186, %swap3A_187], %swap3A_190 {strides = array<i32>} : memref<8x2048xf32, #tpu.memory_space<vmem>>, vector<1x16xf32>,
        %mul3A_191 = arith.constant 16 : i32
        %mul3A_192 = arith.muli %scan3A_99, %mul3A_191 : i32
        %get3A_193 = arith.constant 3 : i32
        %get3A_194 = arith.index_cast %get3A_193 : i32 to index
        %get3A_195 = arith.index_cast %mul3A_192 : i32 to index
        %get3A_196 = tpu.vector_load %arg4[%get3A_194, %get3A_195] {strides = array<i32>} : memref<8x2048xf32, #tpu.memory_space<vmem>>, vector<1x16xf32>,
        %get3A_197 = vector.shape_cast %get3A_196 : vector<1x16xf32> to vector<16xf32>
        %mul3A_198 = arith.mulf %get3A_197, %get3A_197 : vector<16xf32>
        %mul3A_199 = arith.constant 0.0356774069 : f32
        %mul3A_200 = vector.broadcast %mul3A_199 : f32 to vector<16xf32>
        %mul3A_201 = arith.mulf %mul3A_200, %mul3A_198 : vector<16xf32>
        %add3A_202 = arith.constant 0.797884583 : f32
        %add3A_203 = vector.broadcast %add3A_202 : f32 to vector<16xf32>
        %add3A_204 = arith.addf %mul3A_201, %add3A_203 : vector<16xf32>
        %add3A_205 = arith.addf %get3A_197, %get3A_197 : vector<16xf32>
        %mul3A_206 = arith.mulf %add3A_205, %add3A_204 : vector<16xf32>
        %neg3A_207 = arith.constant 0.000000e+00 : f32
        %neg3A_208 = vector.broadcast %neg3A_207 : f32 to vector<16xf32>
        %neg3A_209 = arith.subf %neg3A_208, %mul3A_206 : vector<16xf32>
        %exp3A_210 = math.exp %neg3A_209 : vector<16xf32>
        %add3A_211 = arith.constant 1.000000e+00 : f32
        %add3A_212 = vector.broadcast %add3A_211 : f32 to vector<16xf32>
        %add3A_213 = arith.addf %add3A_212, %exp3A_210 : vector<16xf32>
        %div3A_214 = arith.divf %get3A_197, %add3A_213 : vector<16xf32>
        %mul3A_215 = arith.constant 16 : i32
        %mul3A_216 = arith.muli %scan3A_99, %mul3A_215 : i32
        %swap3A_217 = arith.constant 3 : i32
        %swap3A_218 = arith.index_cast %swap3A_217 : i32 to index
        %swap3A_219 = arith.index_cast %mul3A_216 : i32 to index
        %swap3A_220 = tpu.vector_load %arg6[%swap3A_218, %swap3A_219] {strides = array<i32>} : memref<8x2048xf32, #tpu.memory_space<vmem>>, vector<1x16xf32>,
        %swap3A_221 = vector.shape_cast %swap3A_220 : vector<1x16xf32> to vector<16xf32>
        %swap3A_222 = vector.shape_cast %div3A_214 : vector<16xf32> to vector<1x16xf32>
        tpu.vector_store %arg6[%swap3A_218, %swap3A_219], %swap3A_222 {strides = array<i32>} : memref<8x2048xf32, #tpu.memory_space<vmem>>, vector<1x16xf32>,
        %mul3A_223 = arith.constant 16 : i32
        %mul3A_224 = arith.muli %scan3A_99, %mul3A_223 : i32
        %get3A_225 = arith.constant 4 : i32
        %get3A_226 = arith.index_cast %get3A_225 : i32 to index
        %get3A_227 = arith.index_cast %mul3A_224 : i32 to index
        %get3A_228 = tpu.vector_load %arg4[%get3A_226, %get3A_227] {strides = array<i32>} : memref<8x2048xf32, #tpu.memory_space<vmem>>, vector<1x16xf32>,
        %get3A_229 = vector.shape_cast %get3A_228 : vector<1x16xf32> to vector<16xf32>
        %mul3A_230 = arith.mulf %get3A_229, %get3A_229 : vector<16xf32>
        %mul3A_231 = arith.constant 0.0356774069 : f32
        %mul3A_232 = vector.broadcast %mul3A_231 : f32 to vector<16xf32>
        %mul3A_233 = arith.mulf %mul3A_232, %mul3A_230 : vector<16xf32>
        %add3A_234 = arith.constant 0.797884583 : f32
        %add3A_235 = vector.broadcast %add3A_234 : f32 to vector<16xf32>
        %add3A_236 = arith.addf %mul3A_233, %add3A_235 : vector<16xf32>
        %add3A_237 = arith.addf %get3A_229, %get3A_229 : vector<16xf32>
        %mul3A_238 = arith.mulf %add3A_237, %add3A_236 : vector<16xf32>
        %neg3A_239 = arith.constant 0.000000e+00 : f32
        %neg3A_240 = vector.broadcast %neg3A_239 : f32 to vector<16xf32>
        %neg3A_241 = arith.subf %neg3A_240, %mul3A_238 : vector<16xf32>
        %exp3A_242 = math.exp %neg3A_241 : vector<16xf32>
        %add3A_243 = arith.constant 1.000000e+00 : f32
        %add3A_244 = vector.broadcast %add3A_243 : f32 to vector<16xf32>
        %add3A_245 = arith.addf %add3A_244, %exp3A_242 : vector<16xf32>
        %div3A_246 = arith.divf %get3A_229, %add3A_245 : vector<16xf32>
        %mul3A_247 = arith.constant 16 : i32
        %mul3A_248 = arith.muli %scan3A_99, %mul3A_247 : i32
        %swap3A_249 = arith.constant 4 : i32
        %swap3A_250 = arith.index_cast %swap3A_249 : i32 to index
        %swap3A_251 = arith.index_cast %mul3A_248 : i32 to index
        %swap3A_252 = tpu.vector_load %arg6[%swap3A_250, %swap3A_251] {strides = array<i32>} : memref<8x2048xf32, #tpu.memory_space<vmem>>, vector<1x16xf32>,
        %swap3A_253 = vector.shape_cast %swap3A_252 : vector<1x16xf32> to vector<16xf32>
        %swap3A_254 = vector.shape_cast %div3A_246 : vector<16xf32> to vector<1x16xf32>
        tpu.vector_store %arg6[%swap3A_250, %swap3A_251], %swap3A_254 {strides = array<i32>} : memref<8x2048xf32, #tpu.memory_space<vmem>>, vector<1x16xf32>,
        %mul3A_255 = arith.constant 16 : i32
        %mul3A_256 = arith.muli %scan3A_99, %mul3A_255 : i32
        %get3A_257 = arith.constant 5 : i32
        %get3A_258 = arith.index_cast %get3A_257 : i32 to index
        %get3A_259 = arith.index_cast %mul3A_256 : i32 to index
        %get3A_260 = tpu.vector_load %arg4[%get3A_258, %get3A_259] {strides = array<i32>} : memref<8x2048xf32, #tpu.memory_space<vmem>>, vector<1x16xf32>,
        %get3A_261 = vector.shape_cast %get3A_260 : vector<1x16xf32> to vector<16xf32>
        %mul3A_262 = arith.mulf %get3A_261, %get3A_261 : vector<16xf32>
        %mul3A_263 = arith.constant 0.0356774069 : f32
        %mul3A_264 = vector.broadcast %mul3A_263 : f32 to vector<16xf32>
        %mul3A_265 = arith.mulf %mul3A_264, %mul3A_262 : vector<16xf32>
        %add3A_266 = arith.constant 0.797884583 : f32
        %add3A_267 = vector.broadcast %add3A_266 : f32 to vector<16xf32>
        %add3A_268 = arith.addf %mul3A_265, %add3A_267 : vector<16xf32>
        %add3A_269 = arith.addf %get3A_261, %get3A_261 : vector<16xf32>
        %mul3A_270 = arith.mulf %add3A_269, %add3A_268 : vector<16xf32>
        %neg3A_271 = arith.constant 0.000000e+00 : f32
        %neg3A_272 = vector.broadcast %neg3A_271 : f32 to vector<16xf32>
        %neg3A_273 = arith.subf %neg3A_272, %mul3A_270 : vector<16xf32>
        %exp3A_274 = math.exp %neg3A_273 : vector<16xf32>
        %add3A_275 = arith.constant 1.000000e+00 : f32
        %add3A_276 = vector.broadcast %add3A_275 : f32 to vector<16xf32>
        %add3A_277 = arith.addf %add3A_276, %exp3A_274 : vector<16xf32>
        %div3A_278 = arith.divf %get3A_261, %add3A_277 : vector<16xf32>
        %mul3A_279 = arith.constant 16 : i32
        %mul3A_280 = arith.muli %scan3A_99, %mul3A_279 : i32
        %swap3A_281 = arith.constant 5 : i32
        %swap3A_282 = arith.index_cast %swap3A_281 : i32 to index
        %swap3A_283 = arith.index_cast %mul3A_280 : i32 to index
        %swap3A_284 = tpu.vector_load %arg6[%swap3A_282, %swap3A_283] {strides = array<i32>} : memref<8x2048xf32, #tpu.memory_space<vmem>>, vector<1x16xf32>,
        %swap3A_285 = vector.shape_cast %swap3A_284 : vector<1x16xf32> to vector<16xf32>
        %swap3A_286 = vector.shape_cast %div3A_278 : vector<16xf32> to vector<1x16xf32>
        tpu.vector_store %arg6[%swap3A_282, %swap3A_283], %swap3A_286 {strides = array<i32>} : memref<8x2048xf32, #tpu.memory_space<vmem>>, vector<1x16xf32>,
        %mul3A_287 = arith.constant 16 : i32
        %mul3A_288 = arith.muli %scan3A_99, %mul3A_287 : i32
        %get3A_289 = arith.constant 6 : i32
        %get3A_290 = arith.index_cast %get3A_289 : i32 to index
        %get3A_291 = arith.index_cast %mul3A_288 : i32 to index
        %get3A_292 = tpu.vector_load %arg4[%get3A_290, %get3A_291] {strides = array<i32>} : memref<8x2048xf32, #tpu.memory_space<vmem>>, vector<1x16xf32>,
        %get3A_293 = vector.shape_cast %get3A_292 : vector<1x16xf32> to vector<16xf32>
        %mul3A_294 = arith.mulf %get3A_293, %get3A_293 : vector<16xf32>
        %mul3A_295 = arith.constant 0.0356774069 : f32
        %mul3A_296 = vector.broadcast %mul3A_295 : f32 to vector<16xf32>
        %mul3A_297 = arith.mulf %mul3A_296, %mul3A_294 : vector<16xf32>
        %add3A_298 = arith.constant 0.797884583 : f32
        %add3A_299 = vector.broadcast %add3A_298 : f32 to vector<16xf32>
        %add3A_300 = arith.addf %mul3A_297, %add3A_299 : vector<16xf32>
        %add3A_301 = arith.addf %get3A_293, %get3A_293 : vector<16xf32>
        %mul3A_302 = arith.mulf %add3A_301, %add3A_300 : vector<16xf32>
        %neg3A_303 = arith.constant 0.000000e+00 : f32
        %neg3A_304 = vector.broadcast %neg3A_303 : f32 to vector<16xf32>
        %neg3A_305 = arith.subf %neg3A_304, %mul3A_302 : vector<16xf32>
        %exp3A_306 = math.exp %neg3A_305 : vector<16xf32>
        %add3A_307 = arith.constant 1.000000e+00 : f32
        %add3A_308 = vector.broadcast %add3A_307 : f32 to vector<16xf32>
        %add3A_309 = arith.addf %add3A_308, %exp3A_306 : vector<16xf32>
        %div3A_310 = arith.divf %get3A_293, %add3A_309 : vector<16xf32>
        %mul3A_311 = arith.constant 16 : i32
        %mul3A_312 = arith.muli %scan3A_99, %mul3A_311 : i32
        %swap3A_313 = arith.constant 6 : i32
        %swap3A_314 = arith.index_cast %swap3A_313 : i32 to index
        %swap3A_315 = arith.index_cast %mul3A_312 : i32 to index
        %swap3A_316 = tpu.vector_load %arg6[%swap3A_314, %swap3A_315] {strides = array<i32>} : memref<8x2048xf32, #tpu.memory_space<vmem>>, vector<1x16xf32>,
        %swap3A_317 = vector.shape_cast %swap3A_316 : vector<1x16xf32> to vector<16xf32>
        %swap3A_318 = vector.shape_cast %div3A_310 : vector<16xf32> to vector<1x16xf32>
        tpu.vector_store %arg6[%swap3A_314, %swap3A_315], %swap3A_318 {strides = array<i32>} : memref<8x2048xf32, #tpu.memory_space<vmem>>, vector<1x16xf32>,
        %mul3A_319 = arith.constant 16 : i32
        %mul3A_320 = arith.muli %scan3A_99, %mul3A_319 : i32
        %get3A_321 = arith.constant 7 : i32
        %get3A_322 = arith.index_cast %get3A_321 : i32 to index
        %get3A_323 = arith.index_cast %mul3A_320 : i32 to index
        %get3A_324 = tpu.vector_load %arg4[%get3A_322, %get3A_323] {strides = array<i32>} : memref<8x2048xf32, #tpu.memory_space<vmem>>, vector<1x16xf32>,
        %get3A_325 = vector.shape_cast %get3A_324 : vector<1x16xf32> to vector<16xf32>
        %mul3A_326 = arith.mulf %get3A_325, %get3A_325 : vector<16xf32>
        %mul3A_327 = arith.constant 0.0356774069 : f32
        %mul3A_328 = vector.broadcast %mul3A_327 : f32 to vector<16xf32>
        %mul3A_329 = arith.mulf %mul3A_328, %mul3A_326 : vector<16xf32>
        %add3A_330 = arith.constant 0.797884583 : f32
        %add3A_331 = vector.broadcast %add3A_330 : f32 to vector<16xf32>
        %add3A_332 = arith.addf %mul3A_329, %add3A_331 : vector<16xf32>
        %add3A_333 = arith.addf %get3A_325, %get3A_325 : vector<16xf32>
        %mul3A_334 = arith.mulf %add3A_333, %add3A_332 : vector<16xf32>
        %neg3A_335 = arith.constant 0.000000e+00 : f32
        %neg3A_336 = vector.broadcast %neg3A_335 : f32 to vector<16xf32>
        %neg3A_337 = arith.subf %neg3A_336, %mul3A_334 : vector<16xf32>
        %exp3A_338 = math.exp %neg3A_337 : vector<16xf32>
        %add3A_339 = arith.constant 1.000000e+00 : f32
        %add3A_340 = vector.broadcast %add3A_339 : f32 to vector<16xf32>
        %add3A_341 = arith.addf %add3A_340, %exp3A_338 : vector<16xf32>
        %div3A_342 = arith.divf %get3A_325, %add3A_341 : vector<16xf32>
        %mul3A_343 = arith.constant 16 : i32
        %mul3A_344 = arith.muli %scan3A_99, %mul3A_343 : i32
        %swap3A_345 = arith.constant 7 : i32
        %swap3A_346 = arith.index_cast %swap3A_345 : i32 to index
        %swap3A_347 = arith.index_cast %mul3A_344 : i32 to index
        %swap3A_348 = tpu.vector_load %arg6[%swap3A_346, %swap3A_347] {strides = array<i32>} : memref<8x2048xf32, #tpu.memory_space<vmem>>, vector<1x16xf32>,
        %swap3A_349 = vector.shape_cast %swap3A_348 : vector<1x16xf32> to vector<16xf32>
        %swap3A_350 = vector.shape_cast %div3A_342 : vector<16xf32> to vector<1x16xf32>
        tpu.vector_store %arg6[%swap3A_346, %swap3A_347], %swap3A_350 {strides = array<i32>} : memref<8x2048xf32, #tpu.memory_space<vmem>>, vector<1x16xf32>,
      }
      %scan3A_53 = arith.constant 128 : i32
      %mul3A_54 = arith.constant 8 : i32
      %mul3A_55 = arith.muli %mul3A_36, %mul3A_54 : i32
      %add3A_56 = arith.addi %mul3A_6, %mul3A_55 : i32
      %dma_start3A_57 = arith.constant 0 : i32
      %dma_start3A_58 = tpu.memref_slice %arg3[%add3A_56, %dma_start3A_57] : memref<1024x2048xf32, #tpu.memory_space<hbm>> -> memref<8x2048xf32, #tpu.memory_space<hbm>>
      %dma_start3A_59 = arith.constant 0 : i32
      %dma_start3A_60 = tpu.memref_slice %arg3[%add3A_56, %dma_start3A_59] : memref<1024x2048xf32, #tpu.memory_space<hbm>> -> memref<8x2048xf32, #tpu.memory_space<hbm>>
      tpu.enqueue_dma source(%arg6 : memref<8x2048xf32, #tpu.memory_space<vmem>>) target(%dma_start3A_60 : memref<8x2048xf32, #tpu.memory_space<hbm>>) target_semaphore(%arg10 : memref<!tpu.dma_semaphore, #tpu.memory_space<semaphore_mem>>)
      %add3A_61 = arith.constant 2 : i32
      %add3A_62 = arith.addi %mul3A_36, %add3A_61 : i32
      %lt3A = arith.constant 4 : i32
      %lt3A_63 = arith.cmpi slt, %add3A_62, %lt3A : i32
      %convert_element_type3A_64 = arith.extui %lt3A_63 : i1 to i32
      %cond3A_65 = arith.constant 0 : i32
      %cond3A_66 = arith.cmpi ne, %convert_element_type3A_64, %cond3A_65 : i32
      scf.if %cond3A_66 {
        %add3A_99 = arith.constant 2 : i32
        %add3A_100 = arith.addi %mul3A_36, %add3A_99 : i32
        %mul3A_101 = arith.constant 8 : i32
        %mul3A_102 = arith.muli %add3A_100, %mul3A_101 : i32
        %add3A_103 = arith.addi %add3A_4, %mul3A_102 : i32
        %dma_start3A_104 = arith.constant 0 : i32
        %dma_start3A_105 = tpu.memref_slice %arg2[%add3A_103, %dma_start3A_104] : memref<16384x2048xf32, #tpu.memory_space<hbm>> -> memref<8x2048xf32, #tpu.memory_space<hbm>>
        %dma_start3A_106 = arith.constant 0 : i32
        %dma_start3A_107 = tpu.memref_slice %arg2[%add3A_103, %dma_start3A_106] : memref<16384x2048xf32, #tpu.memory_space<hbm>> -> memref<8x2048xf32, #tpu.memory_space<hbm>>
        tpu.enqueue_dma source(%dma_start3A_107 : memref<8x2048xf32, #tpu.memory_space<hbm>>) target(%arg4 : memref<8x2048xf32, #tpu.memory_space<vmem>>) target_semaphore(%arg8 : memref<!tpu.dma_semaphore, #tpu.memory_space<semaphore_mem>>)
      } else {
      }
      %mul3A_67 = arith.constant 8 : i32
      %mul3A_68 = arith.muli %add3A_38, %mul3A_67 : i32
      %add3A_69 = arith.addi %add3A_4, %mul3A_68 : i32
      %dma_wait3A_70 = arith.constant 0 : i32
      %dma_wait3A_71 = tpu.memref_slice %arg2[%add3A_69, %dma_wait3A_70] : memref<16384x2048xf32, #tpu.memory_space<hbm>> -> memref<8x2048xf32, #tpu.memory_space<hbm>>
      %dma_wait3A_72 = arith.constant 0 : i32
      %dma_wait3A_73 = tpu.memref_slice %arg2[%add3A_69, %dma_wait3A_72] : memref<16384x2048xf32, #tpu.memory_space<hbm>> -> memref<8x2048xf32, #tpu.memory_space<hbm>>
      tpu.wait_dma2 semaphore(%arg9 : memref<!tpu.dma_semaphore, #tpu.memory_space<semaphore_mem>>) src(%dma_wait3A_73 : memref<8x2048xf32, #tpu.memory_space<hbm>>) dst(%arg5 : memref<8x2048xf32, #tpu.memory_space<vmem>>)
      %ge3A_74 = arith.constant 1 : i32
      %ge3A_75 = arith.cmpi sge, %scan3A_34, %ge3A_74 : i32
      %convert_element_type3A_76 = arith.extui %ge3A_75 : i1 to i32
      %cond3A_77 = arith.constant 0 : i32
      %cond3A_78 = arith.cmpi ne, %convert_element_type3A_76, %cond3A_77 : i32
      scf.if %cond3A_78 {
        %sub3A = arith.constant 2 : i32
        %sub3A_99 = arith.subi %add3A_38, %sub3A : i32
        %mul3A_100 = arith.constant 8 : i32
        %mul3A_101 = arith.muli %sub3A_99, %mul3A_100 : i32
        %add3A_102 = arith.addi %mul3A_6, %mul3A_101 : i32
        %dma_wait3A_103 = arith.constant 0 : i32
        %dma_wait3A_104 = tpu.memref_slice %arg3[%add3A_102, %dma_wait3A_103] : memref<1024x2048xf32, #tpu.memory_space<hbm>> -> memref<8x2048xf32, #tpu.memory_space<hbm>>
        %dma_wait3A_105 = arith.constant 0 : i32
        %dma_wait3A_106 = tpu.memref_slice %arg3[%add3A_102, %dma_wait3A_105] : memref<1024x2048xf32, #tpu.memory_space<hbm>> -> memref<8x2048xf32, #tpu.memory_space<hbm>>
        tpu.wait_dma2 semaphore(%arg11 : memref<!tpu.dma_semaphore, #tpu.memory_space<semaphore_mem>>) src(%arg7 : memref<8x2048xf32, #tpu.memory_space<vmem>>) dst(%dma_wait3A_106 : memref<8x2048xf32, #tpu.memory_space<hbm>>)
      } else {
      }
      %scan3A_79 = arith.constant 0 : i32
      %scan3A_80 = arith.constant 0 : i32
      %scan3A_81 = arith.constant 128 : i32
      %scan3A_82 = arith.addi %scan3A_80, %scan3A_81 : i32
      %scan3A_83 = arith.constant 1 : i32
      scf.for %scan3A_99 = %scan3A_80 to %scan3A_82 step %scan3A_83  : i32 {
        %mul3A_100 = arith.constant 16 : i32
        %mul3A_101 = arith.muli %scan3A_99, %mul3A_100 : i32
        %get3A = arith.constant 0 : i32
        %get3A_102 = arith.index_cast %get3A : i32 to index
        %get3A_103 = arith.index_cast %mul3A_101 : i32 to index
        %get3A_104 = tpu.vector_load %arg5[%get3A_102, %get3A_103] {strides = array<i32>} : memref<8x2048xf32, #tpu.memory_space<vmem>>, vector<1x16xf32>,
        %get3A_105 = vector.shape_cast %get3A_104 : vector<1x16xf32> to vector<16xf32>
        %mul3A_106 = arith.mulf %get3A_105, %get3A_105 : vector<16xf32>
        %mul3A_107 = arith.constant 0.0356774069 : f32
        %mul3A_108 = vector.broadcast %mul3A_107 : f32 to vector<16xf32>
        %mul3A_109 = arith.mulf %mul3A_108, %mul3A_106 : vector<16xf32>
        %add3A_110 = arith.constant 0.797884583 : f32
        %add3A_111 = vector.broadcast %add3A_110 : f32 to vector<16xf32>
        %add3A_112 = arith.addf %mul3A_109, %add3A_111 : vector<16xf32>
        %add3A_113 = arith.addf %get3A_105, %get3A_105 : vector<16xf32>
        %mul3A_114 = arith.mulf %add3A_113, %add3A_112 : vector<16xf32>
        %neg3A = arith.constant 0.000000e+00 : f32
        %neg3A_115 = vector.broadcast %neg3A : f32 to vector<16xf32>
        %neg3A_116 = arith.subf %neg3A_115, %mul3A_114 : vector<16xf32>
        %exp3A = math.exp %neg3A_116 : vector<16xf32>
        %add3A_117 = arith.constant 1.000000e+00 : f32
        %add3A_118 = vector.broadcast %add3A_117 : f32 to vector<16xf32>
        %add3A_119 = arith.addf %add3A_118, %exp3A : vector<16xf32>
        %div3A = arith.divf %get3A_105, %add3A_119 : vector<16xf32>
        %mul3A_120 = arith.constant 16 : i32
        %mul3A_121 = arith.muli %scan3A_99, %mul3A_120 : i32
        %swap3A = arith.constant 0 : i32
        %swap3A_122 = arith.index_cast %swap3A : i32 to index
        %swap3A_123 = arith.index_cast %mul3A_121 : i32 to index
        %swap3A_124 = tpu.vector_load %arg7[%swap3A_122, %swap3A_123] {strides = array<i32>} : memref<8x2048xf32, #tpu.memory_space<vmem>>, vector<1x16xf32>,
        %swap3A_125 = vector.shape_cast %swap3A_124 : vector<1x16xf32> to vector<16xf32>
        %swap3A_126 = vector.shape_cast %div3A : vector<16xf32> to vector<1x16xf32>
        tpu.vector_store %arg7[%swap3A_122, %swap3A_123], %swap3A_126 {strides = array<i32>} : memref<8x2048xf32, #tpu.memory_space<vmem>>, vector<1x16xf32>,
        %mul3A_127 = arith.constant 16 : i32
        %mul3A_128 = arith.muli %scan3A_99, %mul3A_127 : i32
        %get3A_129 = arith.constant 1 : i32
        %get3A_130 = arith.index_cast %get3A_129 : i32 to index
        %get3A_131 = arith.index_cast %mul3A_128 : i32 to index
        %get3A_132 = tpu.vector_load %arg5[%get3A_130, %get3A_131] {strides = array<i32>} : memref<8x2048xf32, #tpu.memory_space<vmem>>, vector<1x16xf32>,
        %get3A_133 = vector.shape_cast %get3A_132 : vector<1x16xf32> to vector<16xf32>
        %mul3A_134 = arith.mulf %get3A_133, %get3A_133 : vector<16xf32>
        %mul3A_135 = arith.constant 0.0356774069 : f32
        %mul3A_136 = vector.broadcast %mul3A_135 : f32 to vector<16xf32>
        %mul3A_137 = arith.mulf %mul3A_136, %mul3A_134 : vector<16xf32>
        %add3A_138 = arith.constant 0.797884583 : f32
        %add3A_139 = vector.broadcast %add3A_138 : f32 to vector<16xf32>
        %add3A_140 = arith.addf %mul3A_137, %add3A_139 : vector<16xf32>
        %add3A_141 = arith.addf %get3A_133, %get3A_133 : vector<16xf32>
        %mul3A_142 = arith.mulf %add3A_141, %add3A_140 : vector<16xf32>
        %neg3A_143 = arith.constant 0.000000e+00 : f32
        %neg3A_144 = vector.broadcast %neg3A_143 : f32 to vector<16xf32>
        %neg3A_145 = arith.subf %neg3A_144, %mul3A_142 : vector<16xf32>
        %exp3A_146 = math.exp %neg3A_145 : vector<16xf32>
        %add3A_147 = arith.constant 1.000000e+00 : f32
        %add3A_148 = vector.broadcast %add3A_147 : f32 to vector<16xf32>
        %add3A_149 = arith.addf %add3A_148, %exp3A_146 : vector<16xf32>
        %div3A_150 = arith.divf %get3A_133, %add3A_149 : vector<16xf32>
        %mul3A_151 = arith.constant 16 : i32
        %mul3A_152 = arith.muli %scan3A_99, %mul3A_151 : i32
        %swap3A_153 = arith.constant 1 : i32
        %swap3A_154 = arith.index_cast %swap3A_153 : i32 to index
        %swap3A_155 = arith.index_cast %mul3A_152 : i32 to index
        %swap3A_156 = tpu.vector_load %arg7[%swap3A_154, %swap3A_155] {strides = array<i32>} : memref<8x2048xf32, #tpu.memory_space<vmem>>, vector<1x16xf32>,
        %swap3A_157 = vector.shape_cast %swap3A_156 : vector<1x16xf32> to vector<16xf32>
        %swap3A_158 = vector.shape_cast %div3A_150 : vector<16xf32> to vector<1x16xf32>
        tpu.vector_store %arg7[%swap3A_154, %swap3A_155], %swap3A_158 {strides = array<i32>} : memref<8x2048xf32, #tpu.memory_space<vmem>>, vector<1x16xf32>,
        %mul3A_159 = arith.constant 16 : i32
        %mul3A_160 = arith.muli %scan3A_99, %mul3A_159 : i32
        %get3A_161 = arith.constant 2 : i32
        %get3A_162 = arith.index_cast %get3A_161 : i32 to index
        %get3A_163 = arith.index_cast %mul3A_160 : i32 to index
        %get3A_164 = tpu.vector_load %arg5[%get3A_162, %get3A_163] {strides = array<i32>} : memref<8x2048xf32, #tpu.memory_space<vmem>>, vector<1x16xf32>,
        %get3A_165 = vector.shape_cast %get3A_164 : vector<1x16xf32> to vector<16xf32>
        %mul3A_166 = arith.mulf %get3A_165, %get3A_165 : vector<16xf32>
        %mul3A_167 = arith.constant 0.0356774069 : f32
        %mul3A_168 = vector.broadcast %mul3A_167 : f32 to vector<16xf32>
        %mul3A_169 = arith.mulf %mul3A_168, %mul3A_166 : vector<16xf32>
        %add3A_170 = arith.constant 0.797884583 : f32
        %add3A_171 = vector.broadcast %add3A_170 : f32 to vector<16xf32>
        %add3A_172 = arith.addf %mul3A_169, %add3A_171 : vector<16xf32>
        %add3A_173 = arith.addf %get3A_165, %get3A_165 : vector<16xf32>
        %mul3A_174 = arith.mulf %add3A_173, %add3A_172 : vector<16xf32>
        %neg3A_175 = arith.constant 0.000000e+00 : f32
        %neg3A_176 = vector.broadcast %neg3A_175 : f32 to vector<16xf32>
        %neg3A_177 = arith.subf %neg3A_176, %mul3A_174 : vector<16xf32>
        %exp3A_178 = math.exp %neg3A_177 : vector<16xf32>
        %add3A_179 = arith.constant 1.000000e+00 : f32
        %add3A_180 = vector.broadcast %add3A_179 : f32 to vector<16xf32>
        %add3A_181 = arith.addf %add3A_180, %exp3A_178 : vector<16xf32>
        %div3A_182 = arith.divf %get3A_165, %add3A_181 : vector<16xf32>
        %mul3A_183 = arith.constant 16 : i32
        %mul3A_184 = arith.muli %scan3A_99, %mul3A_183 : i32
        %swap3A_185 = arith.constant 2 : i32
        %swap3A_186 = arith.index_cast %swap3A_185 : i32 to index
        %swap3A_187 = arith.index_cast %mul3A_184 : i32 to index
        %swap3A_188 = tpu.vector_load %arg7[%swap3A_186, %swap3A_187] {strides = array<i32>} : memref<8x2048xf32, #tpu.memory_space<vmem>>, vector<1x16xf32>,
        %swap3A_189 = vector.shape_cast %swap3A_188 : vector<1x16xf32> to vector<16xf32>
        %swap3A_190 = vector.shape_cast %div3A_182 : vector<16xf32> to vector<1x16xf32>
        tpu.vector_store %arg7[%swap3A_186, %swap3A_187], %swap3A_190 {strides = array<i32>} : memref<8x2048xf32, #tpu.memory_space<vmem>>, vector<1x16xf32>,
        %mul3A_191 = arith.constant 16 : i32
        %mul3A_192 = arith.muli %scan3A_99, %mul3A_191 : i32
        %get3A_193 = arith.constant 3 : i32
        %get3A_194 = arith.index_cast %get3A_193 : i32 to index
        %get3A_195 = arith.index_cast %mul3A_192 : i32 to index
        %get3A_196 = tpu.vector_load %arg5[%get3A_194, %get3A_195] {strides = array<i32>} : memref<8x2048xf32, #tpu.memory_space<vmem>>, vector<1x16xf32>,
        %get3A_197 = vector.shape_cast %get3A_196 : vector<1x16xf32> to vector<16xf32>
        %mul3A_198 = arith.mulf %get3A_197, %get3A_197 : vector<16xf32>
        %mul3A_199 = arith.constant 0.0356774069 : f32
        %mul3A_200 = vector.broadcast %mul3A_199 : f32 to vector<16xf32>
        %mul3A_201 = arith.mulf %mul3A_200, %mul3A_198 : vector<16xf32>
        %add3A_202 = arith.constant 0.797884583 : f32
        %add3A_203 = vector.broadcast %add3A_202 : f32 to vector<16xf32>
        %add3A_204 = arith.addf %mul3A_201, %add3A_203 : vector<16xf32>
        %add3A_205 = arith.addf %get3A_197, %get3A_197 : vector<16xf32>
        %mul3A_206 = arith.mulf %add3A_205, %add3A_204 : vector<16xf32>
        %neg3A_207 = arith.constant 0.000000e+00 : f32
        %neg3A_208 = vector.broadcast %neg3A_207 : f32 to vector<16xf32>
        %neg3A_209 = arith.subf %neg3A_208, %mul3A_206 : vector<16xf32>
        %exp3A_210 = math.exp %neg3A_209 : vector<16xf32>
        %add3A_211 = arith.constant 1.000000e+00 : f32
        %add3A_212 = vector.broadcast %add3A_211 : f32 to vector<16xf32>
        %add3A_213 = arith.addf %add3A_212, %exp3A_210 : vector<16xf32>
        %div3A_214 = arith.divf %get3A_197, %add3A_213 : vector<16xf32>
        %mul3A_215 = arith.constant 16 : i32
        %mul3A_216 = arith.muli %scan3A_99, %mul3A_215 : i32
        %swap3A_217 = arith.constant 3 : i32
        %swap3A_218 = arith.index_cast %swap3A_217 : i32 to index
        %swap3A_219 = arith.index_cast %mul3A_216 : i32 to index
        %swap3A_220 = tpu.vector_load %arg7[%swap3A_218, %swap3A_219] {strides = array<i32>} : memref<8x2048xf32, #tpu.memory_space<vmem>>, vector<1x16xf32>,
        %swap3A_221 = vector.shape_cast %swap3A_220 : vector<1x16xf32> to vector<16xf32>
        %swap3A_222 = vector.shape_cast %div3A_214 : vector<16xf32> to vector<1x16xf32>
        tpu.vector_store %arg7[%swap3A_218, %swap3A_219], %swap3A_222 {strides = array<i32>} : memref<8x2048xf32, #tpu.memory_space<vmem>>, vector<1x16xf32>,
        %mul3A_223 = arith.constant 16 : i32
        %mul3A_224 = arith.muli %scan3A_99, %mul3A_223 : i32
        %get3A_225 = arith.constant 4 : i32
        %get3A_226 = arith.index_cast %get3A_225 : i32 to index
        %get3A_227 = arith.index_cast %mul3A_224 : i32 to index
        %get3A_228 = tpu.vector_load %arg5[%get3A_226, %get3A_227] {strides = array<i32>} : memref<8x2048xf32, #tpu.memory_space<vmem>>, vector<1x16xf32>,
        %get3A_229 = vector.shape_cast %get3A_228 : vector<1x16xf32> to vector<16xf32>
        %mul3A_230 = arith.mulf %get3A_229, %get3A_229 : vector<16xf32>
        %mul3A_231 = arith.constant 0.0356774069 : f32
        %mul3A_232 = vector.broadcast %mul3A_231 : f32 to vector<16xf32>
        %mul3A_233 = arith.mulf %mul3A_232, %mul3A_230 : vector<16xf32>
        %add3A_234 = arith.constant 0.797884583 : f32
        %add3A_235 = vector.broadcast %add3A_234 : f32 to vector<16xf32>
        %add3A_236 = arith.addf %mul3A_233, %add3A_235 : vector<16xf32>
        %add3A_237 = arith.addf %get3A_229, %get3A_229 : vector<16xf32>
        %mul3A_238 = arith.mulf %add3A_237, %add3A_236 : vector<16xf32>
        %neg3A_239 = arith.constant 0.000000e+00 : f32
        %neg3A_240 = vector.broadcast %neg3A_239 : f32 to vector<16xf32>
        %neg3A_241 = arith.subf %neg3A_240, %mul3A_238 : vector<16xf32>
        %exp3A_242 = math.exp %neg3A_241 : vector<16xf32>
        %add3A_243 = arith.constant 1.000000e+00 : f32
        %add3A_244 = vector.broadcast %add3A_243 : f32 to vector<16xf32>
        %add3A_245 = arith.addf %add3A_244, %exp3A_242 : vector<16xf32>
        %div3A_246 = arith.divf %get3A_229, %add3A_245 : vector<16xf32>
        %mul3A_247 = arith.constant 16 : i32
        %mul3A_248 = arith.muli %scan3A_99, %mul3A_247 : i32
        %swap3A_249 = arith.constant 4 : i32
        %swap3A_250 = arith.index_cast %swap3A_249 : i32 to index
        %swap3A_251 = arith.index_cast %mul3A_248 : i32 to index
        %swap3A_252 = tpu.vector_load %arg7[%swap3A_250, %swap3A_251] {strides = array<i32>} : memref<8x2048xf32, #tpu.memory_space<vmem>>, vector<1x16xf32>,
        %swap3A_253 = vector.shape_cast %swap3A_252 : vector<1x16xf32> to vector<16xf32>
        %swap3A_254 = vector.shape_cast %div3A_246 : vector<16xf32> to vector<1x16xf32>
        tpu.vector_store %arg7[%swap3A_250, %swap3A_251], %swap3A_254 {strides = array<i32>} : memref<8x2048xf32, #tpu.memory_space<vmem>>, vector<1x16xf32>,
        %mul3A_255 = arith.constant 16 : i32
        %mul3A_256 = arith.muli %scan3A_99, %mul3A_255 : i32
        %get3A_257 = arith.constant 5 : i32
        %get3A_258 = arith.index_cast %get3A_257 : i32 to index
        %get3A_259 = arith.index_cast %mul3A_256 : i32 to index
        %get3A_260 = tpu.vector_load %arg5[%get3A_258, %get3A_259] {strides = array<i32>} : memref<8x2048xf32, #tpu.memory_space<vmem>>, vector<1x16xf32>,
        %get3A_261 = vector.shape_cast %get3A_260 : vector<1x16xf32> to vector<16xf32>
        %mul3A_262 = arith.mulf %get3A_261, %get3A_261 : vector<16xf32>
        %mul3A_263 = arith.constant 0.0356774069 : f32
        %mul3A_264 = vector.broadcast %mul3A_263 : f32 to vector<16xf32>
        %mul3A_265 = arith.mulf %mul3A_264, %mul3A_262 : vector<16xf32>
        %add3A_266 = arith.constant 0.797884583 : f32
        %add3A_267 = vector.broadcast %add3A_266 : f32 to vector<16xf32>
        %add3A_268 = arith.addf %mul3A_265, %add3A_267 : vector<16xf32>
        %add3A_269 = arith.addf %get3A_261, %get3A_261 : vector<16xf32>
        %mul3A_270 = arith.mulf %add3A_269, %add3A_268 : vector<16xf32>
        %neg3A_271 = arith.constant 0.000000e+00 : f32
        %neg3A_272 = vector.broadcast %neg3A_271 : f32 to vector<16xf32>
        %neg3A_273 = arith.subf %neg3A_272, %mul3A_270 : vector<16xf32>
        %exp3A_274 = math.exp %neg3A_273 : vector<16xf32>
        %add3A_275 = arith.constant 1.000000e+00 : f32
        %add3A_276 = vector.broadcast %add3A_275 : f32 to vector<16xf32>
        %add3A_277 = arith.addf %add3A_276, %exp3A_274 : vector<16xf32>
        %div3A_278 = arith.divf %get3A_261, %add3A_277 : vector<16xf32>
        %mul3A_279 = arith.constant 16 : i32
        %mul3A_280 = arith.muli %scan3A_99, %mul3A_279 : i32
        %swap3A_281 = arith.constant 5 : i32
        %swap3A_282 = arith.index_cast %swap3A_281 : i32 to index
        %swap3A_283 = arith.index_cast %mul3A_280 : i32 to index
        %swap3A_284 = tpu.vector_load %arg7[%swap3A_282, %swap3A_283] {strides = array<i32>} : memref<8x2048xf32, #tpu.memory_space<vmem>>, vector<1x16xf32>,
        %swap3A_285 = vector.shape_cast %swap3A_284 : vector<1x16xf32> to vector<16xf32>
        %swap3A_286 = vector.shape_cast %div3A_278 : vector<16xf32> to vector<1x16xf32>
        tpu.vector_store %arg7[%swap3A_282, %swap3A_283], %swap3A_286 {strides = array<i32>} : memref<8x2048xf32, #tpu.memory_space<vmem>>, vector<1x16xf32>,
        %mul3A_287 = arith.constant 16 : i32
        %mul3A_288 = arith.muli %scan3A_99, %mul3A_287 : i32
        %get3A_289 = arith.constant 6 : i32
        %get3A_290 = arith.index_cast %get3A_289 : i32 to index
        %get3A_291 = arith.index_cast %mul3A_288 : i32 to index
        %get3A_292 = tpu.vector_load %arg5[%get3A_290, %get3A_291] {strides = array<i32>} : memref<8x2048xf32, #tpu.memory_space<vmem>>, vector<1x16xf32>,
        %get3A_293 = vector.shape_cast %get3A_292 : vector<1x16xf32> to vector<16xf32>
        %mul3A_294 = arith.mulf %get3A_293, %get3A_293 : vector<16xf32>
        %mul3A_295 = arith.constant 0.0356774069 : f32
        %mul3A_296 = vector.broadcast %mul3A_295 : f32 to vector<16xf32>
        %mul3A_297 = arith.mulf %mul3A_296, %mul3A_294 : vector<16xf32>
        %add3A_298 = arith.constant 0.797884583 : f32
        %add3A_299 = vector.broadcast %add3A_298 : f32 to vector<16xf32>
        %add3A_300 = arith.addf %mul3A_297, %add3A_299 : vector<16xf32>
        %add3A_301 = arith.addf %get3A_293, %get3A_293 : vector<16xf32>
        %mul3A_302 = arith.mulf %add3A_301, %add3A_300 : vector<16xf32>
        %neg3A_303 = arith.constant 0.000000e+00 : f32
        %neg3A_304 = vector.broadcast %neg3A_303 : f32 to vector<16xf32>
        %neg3A_305 = arith.subf %neg3A_304, %mul3A_302 : vector<16xf32>
        %exp3A_306 = math.exp %neg3A_305 : vector<16xf32>
        %add3A_307 = arith.constant 1.000000e+00 : f32
        %add3A_308 = vector.broadcast %add3A_307 : f32 to vector<16xf32>
        %add3A_309 = arith.addf %add3A_308, %exp3A_306 : vector<16xf32>
        %div3A_310 = arith.divf %get3A_293, %add3A_309 : vector<16xf32>
        %mul3A_311 = arith.constant 16 : i32
        %mul3A_312 = arith.muli %scan3A_99, %mul3A_311 : i32
        %swap3A_313 = arith.constant 6 : i32
        %swap3A_314 = arith.index_cast %swap3A_313 : i32 to index
        %swap3A_315 = arith.index_cast %mul3A_312 : i32 to index
        %swap3A_316 = tpu.vector_load %arg7[%swap3A_314, %swap3A_315] {strides = array<i32>} : memref<8x2048xf32, #tpu.memory_space<vmem>>, vector<1x16xf32>,
        %swap3A_317 = vector.shape_cast %swap3A_316 : vector<1x16xf32> to vector<16xf32>
        %swap3A_318 = vector.shape_cast %div3A_310 : vector<16xf32> to vector<1x16xf32>
        tpu.vector_store %arg7[%swap3A_314, %swap3A_315], %swap3A_318 {strides = array<i32>} : memref<8x2048xf32, #tpu.memory_space<vmem>>, vector<1x16xf32>,
        %mul3A_319 = arith.constant 16 : i32
        %mul3A_320 = arith.muli %scan3A_99, %mul3A_319 : i32
        %get3A_321 = arith.constant 7 : i32
        %get3A_322 = arith.index_cast %get3A_321 : i32 to index
        %get3A_323 = arith.index_cast %mul3A_320 : i32 to index
        %get3A_324 = tpu.vector_load %arg5[%get3A_322, %get3A_323] {strides = array<i32>} : memref<8x2048xf32, #tpu.memory_space<vmem>>, vector<1x16xf32>,
        %get3A_325 = vector.shape_cast %get3A_324 : vector<1x16xf32> to vector<16xf32>
        %mul3A_326 = arith.mulf %get3A_325, %get3A_325 : vector<16xf32>
        %mul3A_327 = arith.constant 0.0356774069 : f32
        %mul3A_328 = vector.broadcast %mul3A_327 : f32 to vector<16xf32>
        %mul3A_329 = arith.mulf %mul3A_328, %mul3A_326 : vector<16xf32>
        %add3A_330 = arith.constant 0.797884583 : f32
        %add3A_331 = vector.broadcast %add3A_330 : f32 to vector<16xf32>
        %add3A_332 = arith.addf %mul3A_329, %add3A_331 : vector<16xf32>
        %add3A_333 = arith.addf %get3A_325, %get3A_325 : vector<16xf32>
        %mul3A_334 = arith.mulf %add3A_333, %add3A_332 : vector<16xf32>
        %neg3A_335 = arith.constant 0.000000e+00 : f32
        %neg3A_336 = vector.broadcast %neg3A_335 : f32 to vector<16xf32>
        %neg3A_337 = arith.subf %neg3A_336, %mul3A_334 : vector<16xf32>
        %exp3A_338 = math.exp %neg3A_337 : vector<16xf32>
        %add3A_339 = arith.constant 1.000000e+00 : f32
        %add3A_340 = vector.broadcast %add3A_339 : f32 to vector<16xf32>
        %add3A_341 = arith.addf %add3A_340, %exp3A_338 : vector<16xf32>
        %div3A_342 = arith.divf %get3A_325, %add3A_341 : vector<16xf32>
        %mul3A_343 = arith.constant 16 : i32
        %mul3A_344 = arith.muli %scan3A_99, %mul3A_343 : i32
        %swap3A_345 = arith.constant 7 : i32
        %swap3A_346 = arith.index_cast %swap3A_345 : i32 to index
        %swap3A_347 = arith.index_cast %mul3A_344 : i32 to index
        %swap3A_348 = tpu.vector_load %arg7[%swap3A_346, %swap3A_347] {strides = array<i32>} : memref<8x2048xf32, #tpu.memory_space<vmem>>, vector<1x16xf32>,
        %swap3A_349 = vector.shape_cast %swap3A_348 : vector<1x16xf32> to vector<16xf32>
        %swap3A_350 = vector.shape_cast %div3A_342 : vector<16xf32> to vector<1x16xf32>
        tpu.vector_store %arg7[%swap3A_346, %swap3A_347], %swap3A_350 {strides = array<i32>} : memref<8x2048xf32, #tpu.memory_space<vmem>>, vector<1x16xf32>,
      }
      %scan3A_84 = arith.constant 128 : i32
      %mul3A_85 = arith.constant 8 : i32
      %mul3A_86 = arith.muli %add3A_38, %mul3A_85 : i32
      %add3A_87 = arith.addi %mul3A_6, %mul3A_86 : i32
      %dma_start3A_88 = arith.constant 0 : i32
      %dma_start3A_89 = tpu.memref_slice %arg3[%add3A_87, %dma_start3A_88] : memref<1024x2048xf32, #tpu.memory_space<hbm>> -> memref<8x2048xf32, #tpu.memory_space<hbm>>
      %dma_start3A_90 = arith.constant 0 : i32
      %dma_start3A_91 = tpu.memref_slice %arg3[%add3A_87, %dma_start3A_90] : memref<1024x2048xf32, #tpu.memory_space<hbm>> -> memref<8x2048xf32, #tpu.memory_space<hbm>>
      tpu.enqueue_dma source(%arg7 : memref<8x2048xf32, #tpu.memory_space<vmem>>) target(%dma_start3A_91 : memref<8x2048xf32, #tpu.memory_space<hbm>>) target_semaphore(%arg11 : memref<!tpu.dma_semaphore, #tpu.memory_space<semaphore_mem>>)
      %add3A_92 = arith.constant 2 : i32
      %add3A_93 = arith.addi %add3A_38, %add3A_92 : i32
      %lt3A_94 = arith.constant 4 : i32
      %lt3A_95 = arith.cmpi slt, %add3A_93, %lt3A_94 : i32
      %convert_element_type3A_96 = arith.extui %lt3A_95 : i1 to i32
      %cond3A_97 = arith.constant 0 : i32
      %cond3A_98 = arith.cmpi ne, %convert_element_type3A_96, %cond3A_97 : i32
      scf.if %cond3A_98 {
        %add3A_99 = arith.constant 2 : i32
        %add3A_100 = arith.addi %add3A_38, %add3A_99 : i32
        %mul3A_101 = arith.constant 8 : i32
        %mul3A_102 = arith.muli %add3A_100, %mul3A_101 : i32
        %add3A_103 = arith.addi %add3A_4, %mul3A_102 : i32
        %dma_start3A_104 = arith.constant 0 : i32
        %dma_start3A_105 = tpu.memref_slice %arg2[%add3A_103, %dma_start3A_104] : memref<16384x2048xf32, #tpu.memory_space<hbm>> -> memref<8x2048xf32, #tpu.memory_space<hbm>>
        %dma_start3A_106 = arith.constant 0 : i32
        %dma_start3A_107 = tpu.memref_slice %arg2[%add3A_103, %dma_start3A_106] : memref<16384x2048xf32, #tpu.memory_space<hbm>> -> memref<8x2048xf32, #tpu.memory_space<hbm>>
        tpu.enqueue_dma source(%dma_start3A_107 : memref<8x2048xf32, #tpu.memory_space<hbm>>) target(%arg5 : memref<8x2048xf32, #tpu.memory_space<vmem>>) target_semaphore(%arg9 : memref<!tpu.dma_semaphore, #tpu.memory_space<semaphore_mem>>)
      } else {
      }
    }
    %scan3A_22 = arith.constant 2 : i32
    %add3A_23 = arith.constant 16 : i32
    %add3A_24 = arith.addi %mul3A_6, %add3A_23 : i32
    %dma_wait3A = arith.constant 0 : i32
    %dma_wait3A_25 = tpu.memref_slice %arg3[%add3A_24, %dma_wait3A] : memref<1024x2048xf32, #tpu.memory_space<hbm>> -> memref<8x2048xf32, #tpu.memory_space<hbm>>
    %dma_wait3A_26 = arith.constant 0 : i32
    %dma_wait3A_27 = tpu.memref_slice %arg3[%add3A_24, %dma_wait3A_26] : memref<1024x2048xf32, #tpu.memory_space<hbm>> -> memref<8x2048xf32, #tpu.memory_space<hbm>>
    tpu.wait_dma2 semaphore(%arg10 : memref<!tpu.dma_semaphore, #tpu.memory_space<semaphore_mem>>) src(%arg6 : memref<8x2048xf32, #tpu.memory_space<vmem>>) dst(%dma_wait3A_27 : memref<8x2048xf32, #tpu.memory_space<hbm>>)
    %add3A_28 = arith.constant 24 : i32
    %add3A_29 = arith.addi %mul3A_6, %add3A_28 : i32
    %dma_wait3A_30 = arith.constant 0 : i32
    %dma_wait3A_31 = tpu.memref_slice %arg3[%add3A_29, %dma_wait3A_30] : memref<1024x2048xf32, #tpu.memory_space<hbm>> -> memref<8x2048xf32, #tpu.memory_space<hbm>>
    %dma_wait3A_32 = arith.constant 0 : i32
    %dma_wait3A_33 = tpu.memref_slice %arg3[%add3A_29, %dma_wait3A_32] : memref<1024x2048xf32, #tpu.memory_space<hbm>> -> memref<8x2048xf32, #tpu.memory_space<hbm>>
    tpu.wait_dma2 semaphore(%arg11 : memref<!tpu.dma_semaphore, #tpu.memory_space<semaphore_mem>>) src(%arg7 : memref<8x2048xf32, #tpu.memory_space<vmem>>) dst(%dma_wait3A_33 : memref<8x2048xf32, #tpu.memory_space<hbm>>)
    return
  }
}

module attributes {stable_mosaic.version = 14 : i64} {
  func.func @_tc_fn(%arg0: memref<16384x2048xf32, #tpu.memory_space<any>>, %arg1: memref<15360x2048xf32, #tpu.memory_space<any>>, %arg2: memref<6x256x2048xf32, #tpu.memory_space<vmem>>, %arg3: memref<6x256x2048xf32, #tpu.memory_space<vmem>>, %arg4: memref<6x!tpu.dma_semaphore, #tpu.memory_space<semaphore_mem>>, %arg5: memref<6x!tpu.dma_semaphore, #tpu.memory_space<semaphore_mem>>) attributes {dimension_semantics = [], scalar_prefetch = 0 : i64, scratch_operands = 4 : i64, tpu.core_type = #tpu.core_type<tc>} {
    %dma_start3A = arith.constant 0 : i32
    %dma_start3A_0 = arith.constant 0 : i32
    %dma_start3A_1 = tpu.memref_slice %arg4[%dma_start3A_0] : memref<6x!tpu.dma_semaphore, #tpu.memory_space<semaphore_mem>> -> memref<1x!tpu.dma_semaphore, #tpu.memory_space<semaphore_mem>>
    %dma_start3A_2 = tpu.memref_squeeze %dma_start3A_1 : memref<1x!tpu.dma_semaphore, #tpu.memory_space<semaphore_mem>> -> memref<!tpu.dma_semaphore, #tpu.memory_space<semaphore_mem>>
    %dma_start3A_3 = arith.constant 0 : i32
    %dma_start3A_4 = arith.constant 0 : i32
    %dma_start3A_5 = tpu.memref_slice %arg2[%dma_start3A, %dma_start3A_3, %dma_start3A_4] : memref<6x256x2048xf32, #tpu.memory_space<vmem>> -> memref<1x256x2048xf32, #tpu.memory_space<vmem>>
    %dma_start3A_6 = tpu.memref_squeeze %dma_start3A_5 : memref<1x256x2048xf32, #tpu.memory_space<vmem>> -> memref<256x2048xf32, #tpu.memory_space<vmem>>
    %dma_start3A_7 = arith.constant 0 : i32
    %dma_start3A_8 = arith.constant 0 : i32
    %dma_start3A_9 = tpu.memref_slice %arg0[%dma_start3A_7, %dma_start3A_8] : memref<16384x2048xf32, #tpu.memory_space<any>> -> memref<256x2048xf32, #tpu.memory_space<any>>
    tpu.enqueue_dma source(%dma_start3A_9 : memref<256x2048xf32, #tpu.memory_space<any>>) target(%dma_start3A_6 : memref<256x2048xf32, #tpu.memory_space<vmem>>) target_semaphore(%dma_start3A_2 : memref<!tpu.dma_semaphore, #tpu.memory_space<semaphore_mem>>)
    %dma_start3A_10 = arith.constant 1 : i32
    %dma_start3A_11 = arith.constant 1 : i32
    %dma_start3A_12 = tpu.memref_slice %arg4[%dma_start3A_11] : memref<6x!tpu.dma_semaphore, #tpu.memory_space<semaphore_mem>> -> memref<1x!tpu.dma_semaphore, #tpu.memory_space<semaphore_mem>>
    %dma_start3A_13 = tpu.memref_squeeze %dma_start3A_12 : memref<1x!tpu.dma_semaphore, #tpu.memory_space<semaphore_mem>> -> memref<!tpu.dma_semaphore, #tpu.memory_space<semaphore_mem>>
    %dma_start3A_14 = arith.constant 0 : i32
    %dma_start3A_15 = arith.constant 0 : i32
    %dma_start3A_16 = tpu.memref_slice %arg2[%dma_start3A_10, %dma_start3A_14, %dma_start3A_15] : memref<6x256x2048xf32, #tpu.memory_space<vmem>> -> memref<1x256x2048xf32, #tpu.memory_space<vmem>>
    %dma_start3A_17 = tpu.memref_squeeze %dma_start3A_16 : memref<1x256x2048xf32, #tpu.memory_space<vmem>> -> memref<256x2048xf32, #tpu.memory_space<vmem>>
    %dma_start3A_18 = arith.constant 256 : i32
    %dma_start3A_19 = arith.constant 0 : i32
    %dma_start3A_20 = tpu.memref_slice %arg0[%dma_start3A_18, %dma_start3A_19] : memref<16384x2048xf32, #tpu.memory_space<any>> -> memref<256x2048xf32, #tpu.memory_space<any>>
    tpu.enqueue_dma source(%dma_start3A_20 : memref<256x2048xf32, #tpu.memory_space<any>>) target(%dma_start3A_17 : memref<256x2048xf32, #tpu.memory_space<vmem>>) target_semaphore(%dma_start3A_13 : memref<!tpu.dma_semaphore, #tpu.memory_space<semaphore_mem>>)
    %dma_start3A_21 = arith.constant 2 : i32
    %dma_start3A_22 = arith.constant 2 : i32
    %dma_start3A_23 = tpu.memref_slice %arg4[%dma_start3A_22] : memref<6x!tpu.dma_semaphore, #tpu.memory_space<semaphore_mem>> -> memref<1x!tpu.dma_semaphore, #tpu.memory_space<semaphore_mem>>
    %dma_start3A_24 = tpu.memref_squeeze %dma_start3A_23 : memref<1x!tpu.dma_semaphore, #tpu.memory_space<semaphore_mem>> -> memref<!tpu.dma_semaphore, #tpu.memory_space<semaphore_mem>>
    %dma_start3A_25 = arith.constant 0 : i32
    %dma_start3A_26 = arith.constant 0 : i32
    %dma_start3A_27 = tpu.memref_slice %arg2[%dma_start3A_21, %dma_start3A_25, %dma_start3A_26] : memref<6x256x2048xf32, #tpu.memory_space<vmem>> -> memref<1x256x2048xf32, #tpu.memory_space<vmem>>
    %dma_start3A_28 = tpu.memref_squeeze %dma_start3A_27 : memref<1x256x2048xf32, #tpu.memory_space<vmem>> -> memref<256x2048xf32, #tpu.memory_space<vmem>>
    %dma_start3A_29 = arith.constant 512 : i32
    %dma_start3A_30 = arith.constant 0 : i32
    %dma_start3A_31 = tpu.memref_slice %arg0[%dma_start3A_29, %dma_start3A_30] : memref<16384x2048xf32, #tpu.memory_space<any>> -> memref<256x2048xf32, #tpu.memory_space<any>>
    tpu.enqueue_dma source(%dma_start3A_31 : memref<256x2048xf32, #tpu.memory_space<any>>) target(%dma_start3A_28 : memref<256x2048xf32, #tpu.memory_space<vmem>>) target_semaphore(%dma_start3A_24 : memref<!tpu.dma_semaphore, #tpu.memory_space<semaphore_mem>>)
    %dma_start3A_32 = arith.constant 3 : i32
    %dma_start3A_33 = arith.constant 3 : i32
    %dma_start3A_34 = tpu.memref_slice %arg4[%dma_start3A_33] : memref<6x!tpu.dma_semaphore, #tpu.memory_space<semaphore_mem>> -> memref<1x!tpu.dma_semaphore, #tpu.memory_space<semaphore_mem>>
    %dma_start3A_35 = tpu.memref_squeeze %dma_start3A_34 : memref<1x!tpu.dma_semaphore, #tpu.memory_space<semaphore_mem>> -> memref<!tpu.dma_semaphore, #tpu.memory_space<semaphore_mem>>
    %dma_start3A_36 = arith.constant 0 : i32
    %dma_start3A_37 = arith.constant 0 : i32
    %dma_start3A_38 = tpu.memref_slice %arg2[%dma_start3A_32, %dma_start3A_36, %dma_start3A_37] : memref<6x256x2048xf32, #tpu.memory_space<vmem>> -> memref<1x256x2048xf32, #tpu.memory_space<vmem>>
    %dma_start3A_39 = tpu.memref_squeeze %dma_start3A_38 : memref<1x256x2048xf32, #tpu.memory_space<vmem>> -> memref<256x2048xf32, #tpu.memory_space<vmem>>
    %dma_start3A_40 = arith.constant 768 : i32
    %dma_start3A_41 = arith.constant 0 : i32
    %dma_start3A_42 = tpu.memref_slice %arg0[%dma_start3A_40, %dma_start3A_41] : memref<16384x2048xf32, #tpu.memory_space<any>> -> memref<256x2048xf32, #tpu.memory_space<any>>
    tpu.enqueue_dma source(%dma_start3A_42 : memref<256x2048xf32, #tpu.memory_space<any>>) target(%dma_start3A_39 : memref<256x2048xf32, #tpu.memory_space<vmem>>) target_semaphore(%dma_start3A_35 : memref<!tpu.dma_semaphore, #tpu.memory_space<semaphore_mem>>)
    %dma_start3A_43 = arith.constant 4 : i32
    %dma_start3A_44 = arith.constant 4 : i32
    %dma_start3A_45 = tpu.memref_slice %arg4[%dma_start3A_44] : memref<6x!tpu.dma_semaphore, #tpu.memory_space<semaphore_mem>> -> memref<1x!tpu.dma_semaphore, #tpu.memory_space<semaphore_mem>>
    %dma_start3A_46 = tpu.memref_squeeze %dma_start3A_45 : memref<1x!tpu.dma_semaphore, #tpu.memory_space<semaphore_mem>> -> memref<!tpu.dma_semaphore, #tpu.memory_space<semaphore_mem>>
    %dma_start3A_47 = arith.constant 0 : i32
    %dma_start3A_48 = arith.constant 0 : i32
    %dma_start3A_49 = tpu.memref_slice %arg2[%dma_start3A_43, %dma_start3A_47, %dma_start3A_48] : memref<6x256x2048xf32, #tpu.memory_space<vmem>> -> memref<1x256x2048xf32, #tpu.memory_space<vmem>>
    %dma_start3A_50 = tpu.memref_squeeze %dma_start3A_49 : memref<1x256x2048xf32, #tpu.memory_space<vmem>> -> memref<256x2048xf32, #tpu.memory_space<vmem>>
    %dma_start3A_51 = arith.constant 1024 : i32
    %dma_start3A_52 = arith.constant 0 : i32
    %dma_start3A_53 = tpu.memref_slice %arg0[%dma_start3A_51, %dma_start3A_52] : memref<16384x2048xf32, #tpu.memory_space<any>> -> memref<256x2048xf32, #tpu.memory_space<any>>
    tpu.enqueue_dma source(%dma_start3A_53 : memref<256x2048xf32, #tpu.memory_space<any>>) target(%dma_start3A_50 : memref<256x2048xf32, #tpu.memory_space<vmem>>) target_semaphore(%dma_start3A_46 : memref<!tpu.dma_semaphore, #tpu.memory_space<semaphore_mem>>)
    %dma_start3A_54 = arith.constant 5 : i32
    %dma_start3A_55 = arith.constant 5 : i32
    %dma_start3A_56 = tpu.memref_slice %arg4[%dma_start3A_55] : memref<6x!tpu.dma_semaphore, #tpu.memory_space<semaphore_mem>> -> memref<1x!tpu.dma_semaphore, #tpu.memory_space<semaphore_mem>>
    %dma_start3A_57 = tpu.memref_squeeze %dma_start3A_56 : memref<1x!tpu.dma_semaphore, #tpu.memory_space<semaphore_mem>> -> memref<!tpu.dma_semaphore, #tpu.memory_space<semaphore_mem>>
    %dma_start3A_58 = arith.constant 0 : i32
    %dma_start3A_59 = arith.constant 0 : i32
    %dma_start3A_60 = tpu.memref_slice %arg2[%dma_start3A_54, %dma_start3A_58, %dma_start3A_59] : memref<6x256x2048xf32, #tpu.memory_space<vmem>> -> memref<1x256x2048xf32, #tpu.memory_space<vmem>>
    %dma_start3A_61 = tpu.memref_squeeze %dma_start3A_60 : memref<1x256x2048xf32, #tpu.memory_space<vmem>> -> memref<256x2048xf32, #tpu.memory_space<vmem>>
    %dma_start3A_62 = arith.constant 1280 : i32
    %dma_start3A_63 = arith.constant 0 : i32
    %dma_start3A_64 = tpu.memref_slice %arg0[%dma_start3A_62, %dma_start3A_63] : memref<16384x2048xf32, #tpu.memory_space<any>> -> memref<256x2048xf32, #tpu.memory_space<any>>
    tpu.enqueue_dma source(%dma_start3A_64 : memref<256x2048xf32, #tpu.memory_space<any>>) target(%dma_start3A_61 : memref<256x2048xf32, #tpu.memory_space<vmem>>) target_semaphore(%dma_start3A_57 : memref<!tpu.dma_semaphore, #tpu.memory_space<semaphore_mem>>)
    %scan3A = arith.constant 0 : i32
    %scan3A_65 = arith.constant 60 : i32
    %scan3A_66 = arith.addi %scan3A, %scan3A_65 : i32
    %scan3A_67 = arith.constant 1 : i32
    scf.for %scan3A_139 = %scan3A to %scan3A_66 step %scan3A_67  : i32 {
      %rem3A_140 = arith.constant 6 : i32
      %rem3A_141 = arith.remsi %scan3A_139, %rem3A_140 : i32
      %mul3A = arith.constant 256 : i32
      %mul3A_142 = arith.muli %scan3A_139, %mul3A : i32
      %dma_wait3A_143 = tpu.memref_slice %arg4[%rem3A_141] : memref<6x!tpu.dma_semaphore, #tpu.memory_space<semaphore_mem>> -> memref<1x!tpu.dma_semaphore, #tpu.memory_space<semaphore_mem>>
      %dma_wait3A_144 = tpu.memref_squeeze %dma_wait3A_143 : memref<1x!tpu.dma_semaphore, #tpu.memory_space<semaphore_mem>> -> memref<!tpu.dma_semaphore, #tpu.memory_space<semaphore_mem>>
      %dma_wait3A_145 = arith.constant 0 : i32
      %dma_wait3A_146 = arith.constant 0 : i32
      %dma_wait3A_147 = tpu.memref_slice %arg2[%rem3A_141, %dma_wait3A_145, %dma_wait3A_146] : memref<6x256x2048xf32, #tpu.memory_space<vmem>> -> memref<1x256x2048xf32, #tpu.memory_space<vmem>>
      %dma_wait3A_148 = tpu.memref_squeeze %dma_wait3A_147 : memref<1x256x2048xf32, #tpu.memory_space<vmem>> -> memref<256x2048xf32, #tpu.memory_space<vmem>>
      %dma_wait3A_149 = arith.constant 0 : i32
      %dma_wait3A_150 = tpu.memref_slice %arg0[%mul3A_142, %dma_wait3A_149] : memref<16384x2048xf32, #tpu.memory_space<any>> -> memref<256x2048xf32, #tpu.memory_space<any>>
      tpu.wait_dma2 semaphore(%dma_wait3A_144 : memref<!tpu.dma_semaphore, #tpu.memory_space<semaphore_mem>>) src(%dma_wait3A_150 : memref<256x2048xf32, #tpu.memory_space<any>>) dst(%dma_wait3A_148 : memref<256x2048xf32, #tpu.memory_space<vmem>>)
      %ge3A = arith.constant 6 : i32
      %ge3A_151 = arith.cmpi sge, %scan3A_139, %ge3A : i32
      %convert_element_type3A = arith.extui %ge3A_151 : i1 to i32
      %cond3A = arith.constant 0 : i32
      %cond3A_152 = arith.cmpi ne, %convert_element_type3A, %cond3A : i32
      scf.if %cond3A_152 {
        %sub3A = arith.constant 6 : i32
        %sub3A_190 = arith.subi %scan3A_139, %sub3A : i32
        %mul3A_191 = arith.constant 256 : i32
        %mul3A_192 = arith.muli %sub3A_190, %mul3A_191 : i32
        %dma_wait3A_193 = tpu.memref_slice %arg5[%rem3A_141] : memref<6x!tpu.dma_semaphore, #tpu.memory_space<semaphore_mem>> -> memref<1x!tpu.dma_semaphore, #tpu.memory_space<semaphore_mem>>
        %dma_wait3A_194 = tpu.memref_squeeze %dma_wait3A_193 : memref<1x!tpu.dma_semaphore, #tpu.memory_space<semaphore_mem>> -> memref<!tpu.dma_semaphore, #tpu.memory_space<semaphore_mem>>
        %dma_wait3A_195 = arith.constant 0 : i32
        %dma_wait3A_196 = tpu.memref_slice %arg1[%mul3A_192, %dma_wait3A_195] : memref<15360x2048xf32, #tpu.memory_space<any>> -> memref<256x2048xf32, #tpu.memory_space<any>>
        %dma_wait3A_197 = arith.constant 0 : i32
        %dma_wait3A_198 = arith.constant 0 : i32
        %dma_wait3A_199 = tpu.memref_slice %arg3[%rem3A_141, %dma_wait3A_197, %dma_wait3A_198] : memref<6x256x2048xf32, #tpu.memory_space<vmem>> -> memref<1x256x2048xf32, #tpu.memory_space<vmem>>
        %dma_wait3A_200 = tpu.memref_squeeze %dma_wait3A_199 : memref<1x256x2048xf32, #tpu.memory_space<vmem>> -> memref<256x2048xf32, #tpu.memory_space<vmem>>
        tpu.wait_dma2 semaphore(%dma_wait3A_194 : memref<!tpu.dma_semaphore, #tpu.memory_space<semaphore_mem>>) src(%dma_wait3A_200 : memref<256x2048xf32, #tpu.memory_space<vmem>>) dst(%dma_wait3A_196 : memref<256x2048xf32, #tpu.memory_space<any>>)
      } else {
      }
      %get3A = arith.index_cast %rem3A_141 : i32 to index
      %get3A_153 = arith.constant 0 : index
      %get3A_154 = arith.constant 0 : index
      %get3A_155 = vector.load %arg2[%get3A, %get3A_153, %get3A_154] : memref<6x256x2048xf32, #tpu.memory_space<vmem>>, vector<1x256x2048xf32>
      %get3A_156 = vector.shape_cast %get3A_155 : vector<1x256x2048xf32> to vector<256x2048xf32>
      %mul3A_157 = arith.mulf %get3A_156, %get3A_156 : vector<256x2048xf32>
      %mul3A_158 = arith.constant 0.0356774069 : f32
      %mul3A_159 = vector.broadcast %mul3A_158 : f32 to vector<256x2048xf32>
      %mul3A_160 = arith.mulf %mul3A_159, %mul3A_157 : vector<256x2048xf32>
      %add3A = arith.constant 0.797884583 : f32
      %add3A_161 = vector.broadcast %add3A : f32 to vector<256x2048xf32>
      %add3A_162 = arith.addf %mul3A_160, %add3A_161 : vector<256x2048xf32>
      %mul3A_163 = arith.mulf %get3A_156, %add3A_162 : vector<256x2048xf32>
      %tanh3A = math.tanh %mul3A_163 : vector<256x2048xf32>
      %mul3A_164 = arith.constant 5.000000e-01 : f32
      %mul3A_165 = vector.broadcast %mul3A_164 : f32 to vector<256x2048xf32>
      %mul3A_166 = arith.mulf %mul3A_165, %get3A_156 : vector<256x2048xf32>
      %mul3A_167 = arith.mulf %mul3A_166, %tanh3A : vector<256x2048xf32>
      %add3A_168 = arith.addf %mul3A_167, %mul3A_166 : vector<256x2048xf32>
      %swap3A = arith.index_cast %rem3A_141 : i32 to index
      %swap3A_169 = arith.constant 0 : index
      %swap3A_170 = arith.constant 0 : index
      %swap3A_171 = vector.load %arg3[%swap3A, %swap3A_169, %swap3A_170] : memref<6x256x2048xf32, #tpu.memory_space<vmem>>, vector<1x256x2048xf32>
      %swap3A_172 = vector.shape_cast %swap3A_171 : vector<1x256x2048xf32> to vector<256x2048xf32>
      %swap3A_173 = vector.shape_cast %add3A_168 : vector<256x2048xf32> to vector<1x256x2048xf32>
      tpu.vector_store %arg3[%swap3A, %swap3A_169, %swap3A_170], %swap3A_173 {strides = array<i32>} : memref<6x256x2048xf32, #tpu.memory_space<vmem>>, vector<1x256x2048xf32>,
      %mul3A_174 = arith.constant 256 : i32
      %mul3A_175 = arith.muli %scan3A_139, %mul3A_174 : i32
      %dma_start3A_176 = tpu.memref_slice %arg5[%rem3A_141] : memref<6x!tpu.dma_semaphore, #tpu.memory_space<semaphore_mem>> -> memref<1x!tpu.dma_semaphore, #tpu.memory_space<semaphore_mem>>
      %dma_start3A_177 = tpu.memref_squeeze %dma_start3A_176 : memref<1x!tpu.dma_semaphore, #tpu.memory_space<semaphore_mem>> -> memref<!tpu.dma_semaphore, #tpu.memory_space<semaphore_mem>>
      %dma_start3A_178 = arith.constant 0 : i32
      %dma_start3A_179 = tpu.memref_slice %arg1[%mul3A_175, %dma_start3A_178] : memref<15360x2048xf32, #tpu.memory_space<any>> -> memref<256x2048xf32, #tpu.memory_space<any>>
      %dma_start3A_180 = arith.constant 0 : i32
      %dma_start3A_181 = arith.constant 0 : i32
      %dma_start3A_182 = tpu.memref_slice %arg3[%rem3A_141, %dma_start3A_180, %dma_start3A_181] : memref<6x256x2048xf32, #tpu.memory_space<vmem>> -> memref<1x256x2048xf32, #tpu.memory_space<vmem>>
      %dma_start3A_183 = tpu.memref_squeeze %dma_start3A_182 : memref<1x256x2048xf32, #tpu.memory_space<vmem>> -> memref<256x2048xf32, #tpu.memory_space<vmem>>
      tpu.enqueue_dma source(%dma_start3A_183 : memref<256x2048xf32, #tpu.memory_space<vmem>>) target(%dma_start3A_179 : memref<256x2048xf32, #tpu.memory_space<any>>) target_semaphore(%dma_start3A_177 : memref<!tpu.dma_semaphore, #tpu.memory_space<semaphore_mem>>)
      %add3A_184 = arith.constant 6 : i32
      %add3A_185 = arith.addi %scan3A_139, %add3A_184 : i32
      %lt3A = arith.constant 60 : i32
      %lt3A_186 = arith.cmpi slt, %add3A_185, %lt3A : i32
      %convert_element_type3A_187 = arith.extui %lt3A_186 : i1 to i32
      %cond3A_188 = arith.constant 0 : i32
      %cond3A_189 = arith.cmpi ne, %convert_element_type3A_187, %cond3A_188 : i32
      scf.if %cond3A_189 {
        %add3A_190 = arith.constant 6 : i32
        %add3A_191 = arith.addi %scan3A_139, %add3A_190 : i32
        %mul3A_192 = arith.constant 256 : i32
        %mul3A_193 = arith.muli %add3A_191, %mul3A_192 : i32
        %dma_start3A_194 = tpu.memref_slice %arg4[%rem3A_141] : memref<6x!tpu.dma_semaphore, #tpu.memory_space<semaphore_mem>> -> memref<1x!tpu.dma_semaphore, #tpu.memory_space<semaphore_mem>>
        %dma_start3A_195 = tpu.memref_squeeze %dma_start3A_194 : memref<1x!tpu.dma_semaphore, #tpu.memory_space<semaphore_mem>> -> memref<!tpu.dma_semaphore, #tpu.memory_space<semaphore_mem>>
        %dma_start3A_196 = arith.constant 0 : i32
        %dma_start3A_197 = arith.constant 0 : i32
        %dma_start3A_198 = tpu.memref_slice %arg2[%rem3A_141, %dma_start3A_196, %dma_start3A_197] : memref<6x256x2048xf32, #tpu.memory_space<vmem>> -> memref<1x256x2048xf32, #tpu.memory_space<vmem>>
        %dma_start3A_199 = tpu.memref_squeeze %dma_start3A_198 : memref<1x256x2048xf32, #tpu.memory_space<vmem>> -> memref<256x2048xf32, #tpu.memory_space<vmem>>
        %dma_start3A_200 = arith.constant 0 : i32
        %dma_start3A_201 = tpu.memref_slice %arg0[%mul3A_193, %dma_start3A_200] : memref<16384x2048xf32, #tpu.memory_space<any>> -> memref<256x2048xf32, #tpu.memory_space<any>>
        tpu.enqueue_dma source(%dma_start3A_201 : memref<256x2048xf32, #tpu.memory_space<any>>) target(%dma_start3A_199 : memref<256x2048xf32, #tpu.memory_space<vmem>>) target_semaphore(%dma_start3A_195 : memref<!tpu.dma_semaphore, #tpu.memory_space<semaphore_mem>>)
      } else {
      }
    }
    %scan3A_68 = arith.constant 60 : i32
    %rem3A = arith.constant 54 : i32
    %rem3A_69 = arith.constant 6 : i32
    %rem3A_70 = arith.remsi %rem3A, %rem3A_69 : i32
    %dma_wait3A = tpu.memref_slice %arg5[%rem3A_70] : memref<6x!tpu.dma_semaphore, #tpu.memory_space<semaphore_mem>> -> memref<1x!tpu.dma_semaphore, #tpu.memory_space<semaphore_mem>>
    %dma_wait3A_71 = tpu.memref_squeeze %dma_wait3A : memref<1x!tpu.dma_semaphore, #tpu.memory_space<semaphore_mem>> -> memref<!tpu.dma_semaphore, #tpu.memory_space<semaphore_mem>>
    %dma_wait3A_72 = arith.constant 13824 : i32
    %dma_wait3A_73 = arith.constant 0 : i32
    %dma_wait3A_74 = tpu.memref_slice %arg1[%dma_wait3A_72, %dma_wait3A_73] : memref<15360x2048xf32, #tpu.memory_space<any>> -> memref<256x2048xf32, #tpu.memory_space<any>>
    %dma_wait3A_75 = arith.constant 0 : i32
    %dma_wait3A_76 = arith.constant 0 : i32
    %dma_wait3A_77 = tpu.memref_slice %arg3[%rem3A_70, %dma_wait3A_75, %dma_wait3A_76] : memref<6x256x2048xf32, #tpu.memory_space<vmem>> -> memref<1x256x2048xf32, #tpu.memory_space<vmem>>
    %dma_wait3A_78 = tpu.memref_squeeze %dma_wait3A_77 : memref<1x256x2048xf32, #tpu.memory_space<vmem>> -> memref<256x2048xf32, #tpu.memory_space<vmem>>
    tpu.wait_dma2 semaphore(%dma_wait3A_71 : memref<!tpu.dma_semaphore, #tpu.memory_space<semaphore_mem>>) src(%dma_wait3A_78 : memref<256x2048xf32, #tpu.memory_space<vmem>>) dst(%dma_wait3A_74 : memref<256x2048xf32, #tpu.memory_space<any>>)
    %rem3A_79 = arith.constant 55 : i32
    %rem3A_80 = arith.constant 6 : i32
    %rem3A_81 = arith.remsi %rem3A_79, %rem3A_80 : i32
    %dma_wait3A_82 = tpu.memref_slice %arg5[%rem3A_81] : memref<6x!tpu.dma_semaphore, #tpu.memory_space<semaphore_mem>> -> memref<1x!tpu.dma_semaphore, #tpu.memory_space<semaphore_mem>>
    %dma_wait3A_83 = tpu.memref_squeeze %dma_wait3A_82 : memref<1x!tpu.dma_semaphore, #tpu.memory_space<semaphore_mem>> -> memref<!tpu.dma_semaphore, #tpu.memory_space<semaphore_mem>>
    %dma_wait3A_84 = arith.constant 14080 : i32
    %dma_wait3A_85 = arith.constant 0 : i32
    %dma_wait3A_86 = tpu.memref_slice %arg1[%dma_wait3A_84, %dma_wait3A_85] : memref<15360x2048xf32, #tpu.memory_space<any>> -> memref<256x2048xf32, #tpu.memory_space<any>>
    %dma_wait3A_87 = arith.constant 0 : i32
    %dma_wait3A_88 = arith.constant 0 : i32
    %dma_wait3A_89 = tpu.memref_slice %arg3[%rem3A_81, %dma_wait3A_87, %dma_wait3A_88] : memref<6x256x2048xf32, #tpu.memory_space<vmem>> -> memref<1x256x2048xf32, #tpu.memory_space<vmem>>
    %dma_wait3A_90 = tpu.memref_squeeze %dma_wait3A_89 : memref<1x256x2048xf32, #tpu.memory_space<vmem>> -> memref<256x2048xf32, #tpu.memory_space<vmem>>
    tpu.wait_dma2 semaphore(%dma_wait3A_83 : memref<!tpu.dma_semaphore, #tpu.memory_space<semaphore_mem>>) src(%dma_wait3A_90 : memref<256x2048xf32, #tpu.memory_space<vmem>>) dst(%dma_wait3A_86 : memref<256x2048xf32, #tpu.memory_space<any>>)
    %rem3A_91 = arith.constant 56 : i32
    %rem3A_92 = arith.constant 6 : i32
    %rem3A_93 = arith.remsi %rem3A_91, %rem3A_92 : i32
    %dma_wait3A_94 = tpu.memref_slice %arg5[%rem3A_93] : memref<6x!tpu.dma_semaphore, #tpu.memory_space<semaphore_mem>> -> memref<1x!tpu.dma_semaphore, #tpu.memory_space<semaphore_mem>>
    %dma_wait3A_95 = tpu.memref_squeeze %dma_wait3A_94 : memref<1x!tpu.dma_semaphore, #tpu.memory_space<semaphore_mem>> -> memref<!tpu.dma_semaphore, #tpu.memory_space<semaphore_mem>>
    %dma_wait3A_96 = arith.constant 14336 : i32
    %dma_wait3A_97 = arith.constant 0 : i32
    %dma_wait3A_98 = tpu.memref_slice %arg1[%dma_wait3A_96, %dma_wait3A_97] : memref<15360x2048xf32, #tpu.memory_space<any>> -> memref<256x2048xf32, #tpu.memory_space<any>>
    %dma_wait3A_99 = arith.constant 0 : i32
    %dma_wait3A_100 = arith.constant 0 : i32
    %dma_wait3A_101 = tpu.memref_slice %arg3[%rem3A_93, %dma_wait3A_99, %dma_wait3A_100] : memref<6x256x2048xf32, #tpu.memory_space<vmem>> -> memref<1x256x2048xf32, #tpu.memory_space<vmem>>
    %dma_wait3A_102 = tpu.memref_squeeze %dma_wait3A_101 : memref<1x256x2048xf32, #tpu.memory_space<vmem>> -> memref<256x2048xf32, #tpu.memory_space<vmem>>
    tpu.wait_dma2 semaphore(%dma_wait3A_95 : memref<!tpu.dma_semaphore, #tpu.memory_space<semaphore_mem>>) src(%dma_wait3A_102 : memref<256x2048xf32, #tpu.memory_space<vmem>>) dst(%dma_wait3A_98 : memref<256x2048xf32, #tpu.memory_space<any>>)
    %rem3A_103 = arith.constant 57 : i32
    %rem3A_104 = arith.constant 6 : i32
    %rem3A_105 = arith.remsi %rem3A_103, %rem3A_104 : i32
    %dma_wait3A_106 = tpu.memref_slice %arg5[%rem3A_105] : memref<6x!tpu.dma_semaphore, #tpu.memory_space<semaphore_mem>> -> memref<1x!tpu.dma_semaphore, #tpu.memory_space<semaphore_mem>>
    %dma_wait3A_107 = tpu.memref_squeeze %dma_wait3A_106 : memref<1x!tpu.dma_semaphore, #tpu.memory_space<semaphore_mem>> -> memref<!tpu.dma_semaphore, #tpu.memory_space<semaphore_mem>>
    %dma_wait3A_108 = arith.constant 14592 : i32
    %dma_wait3A_109 = arith.constant 0 : i32
    %dma_wait3A_110 = tpu.memref_slice %arg1[%dma_wait3A_108, %dma_wait3A_109] : memref<15360x2048xf32, #tpu.memory_space<any>> -> memref<256x2048xf32, #tpu.memory_space<any>>
    %dma_wait3A_111 = arith.constant 0 : i32
    %dma_wait3A_112 = arith.constant 0 : i32
    %dma_wait3A_113 = tpu.memref_slice %arg3[%rem3A_105, %dma_wait3A_111, %dma_wait3A_112] : memref<6x256x2048xf32, #tpu.memory_space<vmem>> -> memref<1x256x2048xf32, #tpu.memory_space<vmem>>
    %dma_wait3A_114 = tpu.memref_squeeze %dma_wait3A_113 : memref<1x256x2048xf32, #tpu.memory_space<vmem>> -> memref<256x2048xf32, #tpu.memory_space<vmem>>
    tpu.wait_dma2 semaphore(%dma_wait3A_107 : memref<!tpu.dma_semaphore, #tpu.memory_space<semaphore_mem>>) src(%dma_wait3A_114 : memref<256x2048xf32, #tpu.memory_space<vmem>>) dst(%dma_wait3A_110 : memref<256x2048xf32, #tpu.memory_space<any>>)
    %rem3A_115 = arith.constant 58 : i32
    %rem3A_116 = arith.constant 6 : i32
    %rem3A_117 = arith.remsi %rem3A_115, %rem3A_116 : i32
    %dma_wait3A_118 = tpu.memref_slice %arg5[%rem3A_117] : memref<6x!tpu.dma_semaphore, #tpu.memory_space<semaphore_mem>> -> memref<1x!tpu.dma_semaphore, #tpu.memory_space<semaphore_mem>>
    %dma_wait3A_119 = tpu.memref_squeeze %dma_wait3A_118 : memref<1x!tpu.dma_semaphore, #tpu.memory_space<semaphore_mem>> -> memref<!tpu.dma_semaphore, #tpu.memory_space<semaphore_mem>>
    %dma_wait3A_120 = arith.constant 14848 : i32
    %dma_wait3A_121 = arith.constant 0 : i32
    %dma_wait3A_122 = tpu.memref_slice %arg1[%dma_wait3A_120, %dma_wait3A_121] : memref<15360x2048xf32, #tpu.memory_space<any>> -> memref<256x2048xf32, #tpu.memory_space<any>>
    %dma_wait3A_123 = arith.constant 0 : i32
    %dma_wait3A_124 = arith.constant 0 : i32
    %dma_wait3A_125 = tpu.memref_slice %arg3[%rem3A_117, %dma_wait3A_123, %dma_wait3A_124] : memref<6x256x2048xf32, #tpu.memory_space<vmem>> -> memref<1x256x2048xf32, #tpu.memory_space<vmem>>
    %dma_wait3A_126 = tpu.memref_squeeze %dma_wait3A_125 : memref<1x256x2048xf32, #tpu.memory_space<vmem>> -> memref<256x2048xf32, #tpu.memory_space<vmem>>
    tpu.wait_dma2 semaphore(%dma_wait3A_119 : memref<!tpu.dma_semaphore, #tpu.memory_space<semaphore_mem>>) src(%dma_wait3A_126 : memref<256x2048xf32, #tpu.memory_space<vmem>>) dst(%dma_wait3A_122 : memref<256x2048xf32, #tpu.memory_space<any>>)
    %rem3A_127 = arith.constant 59 : i32
    %rem3A_128 = arith.constant 6 : i32
    %rem3A_129 = arith.remsi %rem3A_127, %rem3A_128 : i32
    %dma_wait3A_130 = tpu.memref_slice %arg5[%rem3A_129] : memref<6x!tpu.dma_semaphore, #tpu.memory_space<semaphore_mem>> -> memref<1x!tpu.dma_semaphore, #tpu.memory_space<semaphore_mem>>
    %dma_wait3A_131 = tpu.memref_squeeze %dma_wait3A_130 : memref<1x!tpu.dma_semaphore, #tpu.memory_space<semaphore_mem>> -> memref<!tpu.dma_semaphore, #tpu.memory_space<semaphore_mem>>
    %dma_wait3A_132 = arith.constant 15104 : i32
    %dma_wait3A_133 = arith.constant 0 : i32
    %dma_wait3A_134 = tpu.memref_slice %arg1[%dma_wait3A_132, %dma_wait3A_133] : memref<15360x2048xf32, #tpu.memory_space<any>> -> memref<256x2048xf32, #tpu.memory_space<any>>
    %dma_wait3A_135 = arith.constant 0 : i32
    %dma_wait3A_136 = arith.constant 0 : i32
    %dma_wait3A_137 = tpu.memref_slice %arg3[%rem3A_129, %dma_wait3A_135, %dma_wait3A_136] : memref<6x256x2048xf32, #tpu.memory_space<vmem>> -> memref<1x256x2048xf32, #tpu.memory_space<vmem>>
    %dma_wait3A_138 = tpu.memref_squeeze %dma_wait3A_137 : memref<1x256x2048xf32, #tpu.memory_space<vmem>> -> memref<256x2048xf32, #tpu.memory_space<vmem>>
    tpu.wait_dma2 semaphore(%dma_wait3A_131 : memref<!tpu.dma_semaphore, #tpu.memory_space<semaphore_mem>>) src(%dma_wait3A_138 : memref<256x2048xf32, #tpu.memory_space<vmem>>) dst(%dma_wait3A_134 : memref<256x2048xf32, #tpu.memory_space<any>>)
    return
  }
}

</mosaic_0001>

<sc_bundles>
// kernel: kernel.4.cloned.1.call-start
scs
__scs_entry_jumppad:
0x0: {  	(pc) =	sbr.rel $0x88, $3  }
0x1: {  	(tag) =	ssettag $0x0;
	lr =	simm.s32 $0x1  }
0x2: {  	[smem:$0x3FA0] =	sst lr;
	_ =	strace $0xD0000000  }
0x3: {  	_ = 	snop  }
0x4: {  	_ = 	snop  }
0x5: {  	_ = 	snop  }
0x6: {  	_ = 	snop  }
0x7: {  	_ = 	snop  }
__scs_overlays_trampoline_lowered:
0x8: {  	[smem:$0x3FAF] =	sst s0  }
0x9: {  	[smem:$0x3FB0] =	sst s1  }
0xa: {  	[smem:$0x3FB1] =	sst s2  }
0xb: {  	[smem:$0x3FB2] =	sst s3  }
0xc: {  	[smem:$0x3FB3] =	sst s4  }
0xd: {  	[smem:$0x3FB4] =	sst s5  }
0xe: {  	[smem:$0x3FB5] =	sst s6  }
0xf: {  	[smem:$0x3FB6] =	sst s7  }
0x10: {  	[smem:$0x3FB7] =	sst s8  }
0x11: {  	[smem:$0x3FB8] =	sst s9;
	s0 =	simm.s32 @!p0 $0x0  }
0x12: {  	s1 =	sld [smem:$0x3F9E];
	s0 =	simm.s32 @p0 $0x1  }
0x13: {  	[smem:$0x3FB9] =	sst s0;
	s0 =	simm.s32 @!p1 $0x0  }
0x14: {  	s2 =	sld [smem:$0x3F9D];
	s0 =	simm.s32 @p1 $0x1  }
0x15: {  	[smem:$0x3FBA] =	sst s0;
	s0 =	simm.s32 @!p2 $0x0  }
0x16: {  	s3 =	sld [smem:$0x3FDB];
	s0 =	simm.s32 @p2 $0x1  }
0x17: {  	s4 =	simm.s32 $0x1BF5;
	[smem:$0x3FBC] =	sst s0  }
0x18: {  	s0 =	sld [smem:$0x3F9F];
	_ =	swait.ge [sflag:s4], $0x0  }
0x19: {  	s7 =	sld [smem:$0x3FA0]  }
0x1a: {  	s8 =	sadd.s32 $0xFFFFE003, lr  }
0x1b: {  	s9 =	sadd.s32 $0xFFFFFEF7, lr;
	s5 =	simm.s32 $0xFFFFFFFF;
	p2 =	slt.u32 s8, $0xFFFFF086  }
0x1c: {  	p1 =	slt.u32 s9, $0xF7A;
	s5 =	simm.s32 @!p2 $0x0  }
0x1d: {  	s5 =	simm.s32 @p1 $0x1;
	p0 =	seq.s32 s7, s2  }
0x1e: {  	s7 =	smul.u32 @!p0 $0xF7A, s2;
	p2 =	seq.s32 @!p0 s5, $0x0  }
0x1f: {  	s9 =	smul.u32 $0xF7A, s1;
	s8 =	simm.s32 @!p0 $0x1BF5;
	p2 =	por !p2, p0  }
0x20: {  	[sflag:s8] =	ssyncset.s32 @!p0 $0xFFFFF086;
	s6 =	sadd.s32 @!p0 s3, s7;
	s7 =	simm.s32 @!p0 $0x108  }
0x21: {  	s3 =	sadd.s32 s3, s9;
	s6 =	sadd.s32 @!p0 $0x88, s6;
	s7 =	simm.s32 @p2 $0x1082  }
0x22: {  	[simem:s7], [sflag:s8] =	dma.local @!p0 [hbm:s6], $0xF7A  }
0x23: {  	s9 =	sor.u32 $0xD0000000, s2;
	s6 =	simm.s32 $0x108;
	_ =	swait.ge @!p0 [sflag:s8], $0x0  }
0x24: {  	s3 =	sadd.s32 $0x88, s3;
	s6 =	simm.s32 @!p1 $0x1082;
	[sflag:s4] =	ssyncset.s32 $0xFFFFF086  }
0x25: {  	[simem:s6], [sflag:s4] =	dma.local [hbm:s3], $0xF7A  }
0x26: {  	[smem:$0x3FA0] =	sst s1;
	(tag) =	ssettag s2;
	_ =	strace s9  }
0x27: {  	s1 =	sld [smem:$0x3FB0]  }
0x28: {  	s2 =	sld [smem:$0x3FB1]  }
0x29: {  	s4 =	sld [smem:$0x3FB3]  }
0x2a: {  	p0 =	seq.s32 s5, $0x0;
	s5 =	sld [smem:$0x3FB4]  }
0x2b: {  	s6 =	sld [smem:$0x3FB5]  }
0x2c: {  	s7 =	sld [smem:$0x3FB6]  }
0x2d: {  	s3 =	simm.s32 $0x108;
	s8 =	sld [smem:$0x3FB7]  }
0x2e: {  	s3 =	simm.s32 @!p0 $0x1082;
	s9 =	sld [smem:$0x3FB8]  }
0x2f: {  	lr =	sadd.s32 s0, s3;
	s0 =	sld [smem:$0x3FAF]  }
0x30: {  	s3 =	sld [smem:$0x3FB2]  }
0x31: {  	[smem:$0x3FBB] =	sst s10  }
0x32: {  	s10 =	sld [smem:$0x3FB9];
	_ =	sdelay $0x3  }
0x33: {  	p0 =	seq.s32 s10, $0x1;
	s10 =	sld [smem:$0x3FBB];
	_ =	sdelay $0x3  }
0x34: {  	[smem:$0x3FBB] =	sst s10  }
0x35: {  	s10 =	sld [smem:$0x3FBA];
	_ =	sdelay $0x3  }
0x36: {  	p1 =	seq.s32 s10, $0x1;
	s10 =	sld [smem:$0x3FBB];
	_ =	sdelay $0x3  }
0x37: {  	[smem:$0x3FBB] =	sst s10  }
0x38: {  	s10 =	sld [smem:$0x3FBC]  }
0x39: {  	_ = 	snop;
	(pc) =	sbr.ind lr, $3  }
0x3a: {  	_ = 	snop  }
0x3b: {  	_ = 	snop  }
0x3c: {  	p2 =	seq.s32 s10, $0x1;
	s10 =	sld [smem:$0x3FBB]  }
0x3d: {  	_ =	shalt  }
0x3e: {  	_ =	shalt  }
0x3f: {  	_ =	shalt  }
0x40: {  	_ =	shalt  }
0x41: {  	_ =	shalt  }
0x42: {  	_ =	shalt  }
0x43: {  	_ =	shalt  }
0x44: {  	_ =	shalt  }
0x45: {  	_ =	shalt  }
0x46: {  	_ =	shalt  }
0x47: {  	_ =	shalt  }
0x48: {  	_ =	shalt  }
0x49: {  	_ =	shalt  }
0x4a: {  	_ =	shalt  }
0x4b: {  	_ =	shalt  }
0x4c: {  	_ =	shalt  }
0x4d: {  	_ =	shalt  }
0x4e: {  	_ =	shalt  }
0x4f: {  	_ =	shalt  }
0x50: {  	_ =	shalt  }
0x51: {  	_ =	shalt  }
0x52: {  	_ =	shalt  }
0x53: {  	_ =	shalt  }
0x54: {  	_ =	shalt  }
0x55: {  	_ =	shalt  }
0x56: {  	_ =	shalt  }
0x57: {  	_ =	shalt  }
0x58: {  	_ =	shalt  }
0x59: {  	_ =	shalt  }
0x5a: {  	_ =	shalt  }
0x5b: {  	_ =	shalt  }
0x5c: {  	_ =	shalt  }
0x5d: {  	_ =	shalt  }
0x5e: {  	_ =	shalt  }
0x5f: {  	_ =	shalt  }
0x60: {  	_ =	shalt  }
0x61: {  	_ =	shalt  }
0x62: {  	_ =	shalt  }
0x63: {  	_ =	shalt  }
0x64: {  	_ =	shalt  }
0x65: {  	_ =	shalt  }
0x66: {  	_ =	shalt  }
0x67: {  	_ =	shalt  }
0x68: {  	_ =	shalt  }
0x69: {  	_ =	shalt  }
0x6a: {  	_ =	shalt  }
0x6b: {  	_ =	shalt  }
0x6c: {  	_ =	shalt  }
0x6d: {  	_ =	shalt  }
0x6e: {  	_ =	shalt  }
0x6f: {  	_ =	shalt  }
0x70: {  	_ =	shalt  }
0x71: {  	_ =	shalt  }
0x72: {  	_ =	shalt  }
0x73: {  	_ =	shalt  }
0x74: {  	_ =	shalt  }
0x75: {  	_ =	shalt  }
0x76: {  	_ =	shalt  }
0x77: {  	_ =	shalt  }
0x78: {  	_ =	shalt  }
0x79: {  	_ =	shalt  }
0x7a: {  	_ =	shalt  }
0x7b: {  	_ =	shalt  }
0x7c: {  	_ =	shalt  }
0x7d: {  	_ =	shalt  }
0x7e: {  	_ =	shalt  }
0x7f: {  	_ =	shalt  }
0x80: {  	_ =	shalt  }
0x81: {  	_ =	shalt  }
0x82: {  	_ =	shalt  }
0x83: {  	_ =	shalt  }
0x84: {  	_ =	shalt  }
0x85: {  	_ =	shalt  }
0x86: {  	_ =	shalt  }
0x87: {  	_ =	shalt  }
.Lfunc_end0:
.L_simem_size_0:
called_computation_lowered:
.L_overlay_start_0:
0x88: {  	s2 =	sld [smem:$0x3FD9]  }
0x89: {  	s3 =	sld [smem:$0x3FFE];
	_ =	sdelay $0x1  }
0x8a: {  	s1 =	srdreg.scid  }
0x8b: {  	s0 =	sand.u32 $0x1, s1  }
0x8c: {  	s17 =	sshll.u32 s0, $0xA;
	s2 =	sadd.s32 s3, s2  }
0x8d: {  	s2 =	sadd.s32 s2, s17  }
0x8e: {  	[smem:$0x3FC7] =	sst s2  }
0x8f: {  	_ = 	snop  }
0x90: {  	s2 =	sld [smem:$0x3FC9];
	(tm) =	ssettm $0x1  }
0x91: {  	s18 =	sld [smem:$0x3FFB];
	_ =	sdelay $0x3  }
0x92: {  	_ =	strace s18  }
0x93: {  	s3 =	sld [smem:$0x3FFC];
	_ =	sdelay $0x3  }
0x94: {  	_ =	strace s3  }
0x95: {  	s3 =	sld [smem:$0x3FFD];
	_ =	sdelay $0x3  }
0x96: {  	_ =	strace s3  }
0x97: {  	_ =	strace $0x8FFFFFFF  }
0x98: {  	s19 =	sld [smem:$0x3FDB];
	_ =	sdelay $0x1  }
0x99: {  	s4 =	simm.s32 $_scs_section_size  }
0x9a: {  	s5 =	simm.s32 $_size__tile_overlayer_lowered;
	s6 =	simm.s32 $_tile_overlayer_lowered  }
0x9b: {  	s22 =	simm.s32 $0x1BFF;
	s21 =	sshll.u32 s6, $0x1;
	s3 =	sadd.s32 s4, s19  }
0x9c: {  	s7 =	simm.s32 $0x0;
	s20 =	sshll.u32 s5, $0x1;
	s5 =	sadd.s32 s21, s3  }
0x9d: {  	[timem:s7], [sflag:s22] =	dma.local [hbm:s5], s20  }
0x9e: {  	_ =	swait.ge [sflag:s22], s20  }
0x9f: {  	s4 =	ssub.s32 $0x0, s20;
	[sflag:s22] =	ssyncset.done $0x0  }
0xa0: {  	[sflag:s22] =	ssyncadd.s32 s4;
	_ =	sdelay $0x1  }
0xa1: {  	s23 =	simm.s32 $0x1B8B  }
0xa2: {  	_ =	swait.ge [sflag:s23], $0x1  }
0xa3: {  	[sflag:s23] =	ssyncset.done $0x0  }
0xa4: {  	s25 =	simm.s32 $0x1B8E;
	s24 =	sld [smem:$0x3FFE];
	[sflag:s23] =	ssyncadd.s32 $0xFFFFFFFF  }
0xa5: {  	s26 =	simm.s32 $execute0_lowered;
	[smem:$0x3FD2] =	sst s25  }
0xa6: {  	s5 =	sshll.u32 s26, $0x1;
	_ =	strace $0x80000046;
	[dreg:$0x1] =	wrdreg $0xFFFFFFFF  }
0xa7: {  	s28 =	simm.s32 $_size_execute0_lowered;
	s3 =	sadd.s32 s3, s5;
	[dreg:$0x0] =	wrdreg $0x0  }
0xa8: {  	s5 =	sshll.u32 s28, $0x1;
	[dreg:$0x2] =	wrdreg s3  }
0xa9: {  	[dreg:$0x3] =	wrdreg s5  }
0xaa: {  	[dreg:$0x4] =	wrdreg $0xC0  }
0xab: {  	_ =	task [dreg:s7], $0x5FFFF  }
0xac: {  	[dreg:$0x1] =	wrdreg $0xFFFFFFFF  }
0xad: {  	[dreg:$0x0] =	wrdreg $0x60  }
0xae: {  	[dreg:$0x2] =	wrdreg s2  }
0xaf: {  	[dreg:$0x3] =	wrdreg s24  }
0xb0: {  	[dreg:$0x4] =	wrdreg $0x9  }
0xb1: {  	_ =	task.clear_ibuf [dreg:s7], $0x5FFFF;
	_ =	strace $0x90000046  }
0xb2: {  	s29 =	simm.s32 $0x9;
	_ =	strace $0x80000048  }
0xb3: {  	_ =	swait.ge [sflag:s29], $0x1  }
0xb4: {  	[sflag:s29] =	ssyncadd.s32 $0xFFFFFFFF  }
0xb5: {  	_ =	strace $0x90000048  }
0xb6: {  	_ =	sfence  }
0xb7: {  	s30 =	sld [smem:$0x0];
	_ =	sdelay $0x2  }
0xb8: {  	s31 =	sshll.u32 s1, $0xD;
	s1 =	sshrl.u32 s1, $0x2  }
0xb9: {  	s3 =	sand.u32 $0x4000, s31;
	s1 =	sadd.s32 s1, s30  }
0xba: {  	s0 =	sor.u32 s3, s0;
	s1 =	sshll.u32 s1, $0x11  }
0xbb: {  	s0 =	sor.u32 s1, s0  }
0xbc: {  	s0 =	sadd.s32 $0x8F2B, s0  }
0xbd: {  	[sflag:s0] =	ssyncadd.remote.s32 $0x1  }
0xbe: {  	_ =	sfence.sel $0xFFFF  }
0xbf: {  	[dreg:$0x0] =	wrdreg $0xFFFFFFFF;
	(pc) =	sbr.abs _section_cstart, $3  }
0xc0: {  	[dreg:$0x1] =	wrdreg $0xFFFFFFFF  }
0xc1: {  	_ =	task.clear_ibuf [dreg:s7], $0x2FFFF;
	_ =	strace $0x9FFFFFFF  }
0xc2: {  	(tm) =	ssettm $0x7FFFFFFF  }
0xc3: {  	_ =	shalt  }
tec
execute0_lowered:
.L_overlay_start_1:
0x0: {  	(tag) =	ssettag $0x1  }
0x1: {  	s3 =	rddreg [dreg:$0x0]  }
0x2: {  	s4 =	rddreg [dreg:$0x1]  }
0x3: {  	s0 =	rddreg [dreg:$0x2];
	s5 =	srdreg.scid;
	s2 =	simm.s32 $0x0  }
0x4: {  	s1 =	stileid.u32;
	s10 =	simm.s32 $0x4000;
	s11 =	simm.s32 $0x1  }
0x5: {  	s12 =	simm.s32 $0x8000;
	s13 =	simm.s32 $0xC000;
	s14 =	simm.s32 $0x3  }
0x6: {  	s15 =	simm.s32 $0x4;
	s16 =	simm.s32 $0x0;
	s5 =	sand.u32 $0x1, s5  }
0x7: {  	[smem:$0x7FF] =	sst s2;
	s6 =	sshll.u32 s1, $0xE;
	s7 =	sshll.u32 s5, $0xD  }
.Ltmp0:
0x8: {  	s5 =	ssub.s32 $0x2, s5;
	s6 =	sor.u32 s7, s6;
	(pc) =	sbr.rel .LBB2_1-.Ltmp0, $4  }
0x9: {  	_ =	strace $0x80000047;
	s31 =	sshrl.u32 s5, $0x1;
	s7 =	sadd.s32 s6, s3  }
0xa: {  	s9 =	sadd.s32 s6, s4;
	s8 =	ssub.s32 s5, s31;
	s3 =	sadd.s32 $0x3C0000, s7  }
0xb: {  	s4 =	sadd.s32 $0x3C0800, s7;
	s5 =	sadd.s32 $0x400, s9;
	s6 =	sadd.s32 $0x3C1000, s7  }
0xc: {  	s7 =	sadd.s32 $0x3C1800, s7;
	s8 =	smax.u32 s8, $0x1;
	s9 =	sadd.s32 $0xC00, s9  }
.LBB2_8:
0xd: {  	s16 =	sadd.s32 $0x1, s16  }
0xe: {  	_ =	swait.ge [sflag:s14], $0x4000;
	p0 =	sne.s32 s16, s8  }
.Ltmp1:
0xf: {  	[sflag:s14] =	ssyncset.done $0x0;
	(pc) =	sbr.rel @!p0 .LBB2_9-.Ltmp1, $4  }
0x10: {  	[sflag:s14] =	ssyncadd.s32 $0xFFFFC000  }
0x11: {  	_ =	swait.ge [sflag:s15], $0x4000  }
0x12: {  	[sflag:s15] =	ssyncset.done $0x0  }
0x13: {  	[sflag:s15] =	ssyncadd.s32 $0xFFFFC000  }
.LBB2_1:
0x14: {  	[tilespmem:s2], [sflag:$0x1] =	stream.linear.gather [hbm4b:s3+s2], $0x4000, $0x38;
	[tilespmem:$0x10000] =	vst v63  }
0x15: {  	p0 =	por $0x1, $0x1  }
0x16: {  	p1 =	por $0x0, $0x0;
	s18 =	smov.u32 s4;
	s17 =	simm.s32 $0x0  }
.LBB2_2:
0x17: {  	[tilespmem:s10], [sflag:$0x2] =	stream.linear.gather [hbm4b:s18+s2], $0x4000, $0x38;
	[tilespmem:$0x10000] =	vst v63  }
0x18: {  	_ =	swait.ge [sflag:s11], $0x4000  }
0x19: {  	[sflag:s11] =	ssyncset.done $0x0  }
0x1a: {  	s19 =	simm.s32 @p1 $0x3;
	[sflag:s11] =	ssyncadd.s32 $0xFFFFC000  }
0x1b: {  	s18 =	simm.s32 $0x0;
	_ =	swait.ge @p1 [sflag:s19], $0x4000  }
0x1c: {  	s20 =	sand.u32 $0x70, s18;
	s21 =	sand.u32 $0x3C00, s18;
	[sflag:s19] =	ssyncset.done @p1 $0x0  }
0x1d: {  	s30 =	sor.u32 s20, s21;
	[sflag:s19] =	ssyncadd.s32 @p1 $0xFFFFC000  }
0x1e: {  	v0 =	vld [tilespmem:s30+$0x300]  }
0x1f: {  	v1 =	vld [tilespmem:s30+$0x280]  }
0x20: {  	v2 =	vld [tilespmem:s30+$0x100]  }
0x21: {  	v3 =	vld [tilespmem:s30+$0x80]  }
0x22: {  	v4 =	vld [tilespmem:s30+$0x180]  }
0x23: {  	v5 =	vld [tilespmem:s30+$0x0];
	_ =	sdelay $0x2  }
0x24: {  	v11 =	vld [tilespmem:s30+$0x200];
	v6 =	vmul.f32 v0, v0;
	v7 =	vmul.f32 v1, v1  }
0x25: {  	v8 =	vadd.f32 v0, v0;
	v9 =	vmul.f32 v2, v2;
	v10 =	vadd.f32 v1, v1  }
0x26: {  	v12 =	vadd.f32 v3, v3;
	v14 =	vmul.f32 v4, v4;
	v15 =	vmul.f32 v5, v5  }
0x27: {  	v13 =	vadd.f32 v2, v2;
	v16 =	vmul.f32 v3, v3;
	v9 =	vmul.f32 $3.567740690e-02, v9  }
0x28: {  	v42 =	vadd.f32 v4, v4;
	v45 =	vadd.f32 v5, v5;
	v7 =	vmul.f32 $3.567740690e-02, v7  }
0x29: {  	v46 =	vmul.f32 v11, v11;
	v6 =	vmul.f32 $3.567740690e-02, v6;
	v9 =	vadd.f32 $7.978845830e-01, v9  }
0x2a: {  	v14 =	vmul.f32 $3.567740690e-02, v14;
	v41 =	vmul.f32 $3.567740690e-02, v16;
	v7 =	vadd.f32 $7.978845830e-01, v7  }
0x2b: {  	v44 =	vmul.f32 $3.567740690e-02, v15;
	v6 =	vadd.f32 $7.978845830e-01, v6;
	v9 =	vmul.f32 v9, v13  }
0x2c: {  	v48 =	vmul.f32 $3.567740690e-02, v46;
	v43 =	vadd.f32 $7.978845830e-01, v14;
	v7 =	vmul.f32 v7, v10  }
0x2d: {  	v14 =	vadd.f32 $7.978845830e-01, v44;
	v6 =	vmul.f32 v6, v8;
	v9 =	vsub.f32 $0.0e+00, v9  }
0x2e: {  	v8 =	vadd.f32 $7.978845830e-01, v41;
	v13 =	vmul.f32 v43, v42;
	v7 =	vsub.f32 $0.0e+00, v7  }
0x2f: {  	v10 =	vmul.f32 v14, v45;
	v9 =	vmul.f32 $1.442695020e+00, v9  }
0x30: {  	v17 =	vadd.f32 v11, v11;
	v8 =	vmul.f32 v8, v12;
	v7 =	vmul.f32 $1.442695020e+00, v7  }
0x31: {  	v47 =	vsub.f32 $0.0e+00, v13;
	v13 =	vadd.f32 $7.978845830e-01, v48;
	(erf) = vpow2.f32 v9  }
0x32: {  	v8 =	vsub.f32 $0.0e+00, v8;
	(erf) = vpow2.f32 v7  }
0x33: {  	v49 =	vsub.f32 $0.0e+00, v10;
	v12 =	vmul.f32 $1.442695020e+00, v47;
	v50 =	vmul.f32 v13, v17  }
0x34: {  	v6 =	vsub.f32 $0.0e+00, v6;
	v8 =	vmul.f32 $1.442695020e+00, v8  }
0x35: {  	v9 =	vmul.f32 $1.442695020e+00, v49;
	v7 =	vsub.f32 $0.0e+00, v50;
	(erf) = vpow2.f32 v12  }
0x36: {  	v6 =	vmul.f32 $1.442695020e+00, v6;
	(erf) = vpow2.f32 v8  }
0x37: {  	v7 =	vmul.f32 $1.442695020e+00, v7;
	(erf) = vpow2.f32 v9  }
0x38: {  	(erf) = vpow2.f32 v6  }
0x39: {  	(erf) = vpow2.f32 v7  }
0x3a: {  	v51 =	vpop (erf)  }
0x3b: {  	v6 =	vadd.f32 $1.000000000e+00, v51;
	v52 =	vpop (erf)  }
0x3c: {  	v7 =	vadd.f32 $1.000000000e+00, v52  }
0x3d: {  	(erf) = vrcp.f32 v6  }
0x3e: {  	v53 =	vpop (erf);
	(erf) = vrcp.f32 v7  }
0x3f: {  	v8 =	vadd.f32 $1.000000000e+00, v53;
	v54 =	vpop (erf)  }
0x40: {  	v55 =	vadd.f32 $1.000000000e+00, v54;
	v56 =	vpop (erf)  }
0x41: {  	(erf) = vrcp.f32 v8;
	v7 =	vadd.f32 $1.000000000e+00, v56;
	v57 =	vpop (erf)  }
0x42: {  	(erf) = vrcp.f32 v55;
	v58 =	vadd.f32 $1.000000000e+00, v57;
	v59 =	vpop (erf)  }
0x43: {  	(erf) = vrcp.f32 v7;
	v7 =	vadd.f32 $1.000000000e+00, v59  }
0x44: {  	(erf) = vrcp.f32 v58  }
0x45: {  	(erf) = vrcp.f32 v7  }
0x46: {  	v60 =	vpop (erf)  }
0x47: {  	v61 =	vpop (erf)  }
0x48: {  	v1 =	vmul.f32 v61, v1  }
0x49: {  	v2 =	vmul.f32 v60, v2  }
0x4a: {  	v62 =	vpop (erf)  }
0x4b: {  	v63 =	vpop (erf);
	v4 =	vmul.f32 v62, v4;
	[tilespmem:s30+$0x8100] =	vst v2  }
0x4c: {  	v3 =	vmul.f32 v63, v3;
	[tilespmem:s30+$0x8280] =	vst v1;
	v1 =	vpop (erf)  }
0x4d: {  	[tilespmem:s30+$0x8180] =	vst v4;
	v2 =	vpop (erf);
	v1 =	vmul.f32 v1, v5  }
0x4e: {  	s31 =	sand.u32 $0x7, s18;
	[tilespmem:s30+$0x8080] =	vst v3;
	v0 =	vmul.f32 v2, v0;
	v2 =	vpop (erf)  }
0x4f: {  	s20 =	sshll.u32 s31, $0x4;
	v2 =	vmul.f32 v2, v11;
	[tilespmem:s30+$0x8000] =	vst v1  }
0x50: {  	s20 =	sadd.s32 $0x0, s20;
	[tilespmem:s30+$0x8300] =	vst v0  }
0x51: {  	s22 =	sor.u32 $0x380, s20;
	[tilespmem:s30+$0x8200] =	vst v2  }
0x52: {  	v0 =	vld [tilespmem:s22+$0x0];
	_ =	sdelay $0x4  }
0x53: {  	v1 =	vmul.f32 v0, v0;
	_ =	sdelay $0x1  }
0x54: {  	v1 =	vmul.f32 $3.567740690e-02, v1;
	_ =	sdelay $0x1  }
0x55: {  	v2 =	vadd.f32 v0, v0;
	v1 =	vadd.f32 $7.978845830e-01, v1;
	_ =	sdelay $0x1  }
0x56: {  	v1 =	vmul.f32 v1, v2;
	_ =	sdelay $0x1  }
0x57: {  	v1 =	vsub.f32 $0.0e+00, v1;
	_ =	sdelay $0x1  }
0x58: {  	v1 =	vmul.f32 $1.442695020e+00, v1;
	_ =	sdelay $0x1  }
0x59: {  	(erf) = vpow2.f32 v1;
	_ =	sdelay $0x8  }
0x5a: {  	v1 =	vpop (erf)  }
0x5b: {  	v1 =	vadd.f32 $1.000000000e+00, v1;
	_ =	sdelay $0x1  }
0x5c: {  	s20 =	simm.s32 $0x0;
	s19 =	simm.s32 $0x10;
	(erf) = vrcp.f32 v1  }
.LBB2_3:
0x5d: {  	_ = 	snop  }
0x5e: {  	p1 =	sne.s32 s19, $0x7F0;
	s18 =	sadd.s32 $0x80, s18;
	s20 =	sadd.s32 $0x1, s20  }
0x5f: {  	s21 =	smov.u32 s19;
	s19 =	sadd.s32 $0x10, s19;
	_ =	sdelay $0x5  }
0x60: {  	v1 =	vpop (erf)  }
0x61: {  	v0 =	vmul.f32 v1, v0  }
0x62: {  	s21 =	sand.u32 $0x70, s21;
	s23 =	sand.u32 $0x3C00, s18  }
0x63: {  	s21 =	sor.u32 s21, s23;
	[tilespmem:s22+$0x8000] =	vst v0  }
0x64: {  	v0 =	vld [tilespmem:s21+$0x300]  }
0x65: {  	v4 =	vld [tilespmem:s21+$0x280]  }
0x66: {  	v5 =	vld [tilespmem:s21+$0x100]  }
0x67: {  	v3 =	vld [tilespmem:s21+$0x80]  }
0x68: {  	v6 =	vld [tilespmem:s21+$0x180]  }
0x69: {  	v2 =	vld [tilespmem:s21+$0x0];
	v7 =	vmul.f32 v0, v0  }
0x6a: {  	v9 =	vadd.f32 v0, v0;
	v1 =	vld [tilespmem:s21+$0x200];
	v8 =	vmul.f32 v4, v4  }
0x6b: {  	v11 =	vadd.f32 v4, v4;
	v10 =	vmul.f32 v5, v5;
	v7 =	vmul.f32 $3.567740690e-02, v7  }
0x6c: {  	v13 =	vadd.f32 v5, v5;
	v12 =	vadd.f32 v3, v3;
	v8 =	vmul.f32 $3.567740690e-02, v8  }
0x6d: {  	v10 =	vmul.f32 $3.567740690e-02, v10;
	v14 =	vmul.f32 v6, v6;
	v7 =	vadd.f32 $7.978845830e-01, v7  }
0x6e: {  	v16 =	vmul.f32 v3, v3;
	v15 =	vmul.f32 v2, v2;
	v8 =	vadd.f32 $7.978845830e-01, v8  }
0x6f: {  	v10 =	vadd.f32 $7.978845830e-01, v10;
	v14 =	vmul.f32 $3.567740690e-02, v14;
	v7 =	vmul.f32 v7, v9  }
0x70: {  	v9 =	vmul.f32 $3.567740690e-02, v16;
	v16 =	vadd.f32 v6, v6;
	v17 =	vadd.f32 v1, v1  }
0x71: {  	v18 =	vadd.f32 v2, v2;
	v10 =	vmul.f32 v10, v13;
	v13 =	vadd.f32 $7.978845830e-01, v14  }
0x72: {  	v8 =	vmul.f32 v8, v11;
	v14 =	vmul.f32 $3.567740690e-02, v15;
	v9 =	vadd.f32 $7.978845830e-01, v9  }
0x73: {  	v10 =	vsub.f32 $0.0e+00, v10;
	v11 =	vmul.f32 v13, v16;
	v13 =	vmul.f32 v1, v1  }
0x74: {  	v8 =	vsub.f32 $0.0e+00, v8;
	v14 =	vadd.f32 $7.978845830e-01, v14;
	v9 =	vmul.f32 v9, v12  }
0x75: {  	v10 =	vmul.f32 $1.442695020e+00, v10;
	v11 =	vsub.f32 $0.0e+00, v11;
	v12 =	vmul.f32 $3.567740690e-02, v13  }
0x76: {  	v8 =	vmul.f32 $1.442695020e+00, v8;
	v13 =	vmul.f32 v14, v18;
	v9 =	vsub.f32 $0.0e+00, v9  }
0x77: {  	v11 =	vmul.f32 $1.442695020e+00, v11;
	v12 =	vadd.f32 $7.978845830e-01, v12;
	(erf) = vpow2.f32 v10  }
0x78: {  	v10 =	vsub.f32 $0.0e+00, v13;
	v9 =	vmul.f32 $1.442695020e+00, v9;
	(erf) = vpow2.f32 v8  }
0x79: {  	v7 =	vsub.f32 $0.0e+00, v7;
	v8 =	vmul.f32 v12, v17;
	(erf) = vpow2.f32 v11  }
0x7a: {  	v10 =	vmul.f32 $1.442695020e+00, v10;
	(erf) = vpow2.f32 v9  }
0x7b: {  	v7 =	vmul.f32 $1.442695020e+00, v7;
	v8 =	vsub.f32 $0.0e+00, v8  }
0x7c: {  	(erf) = vpow2.f32 v10  }
0x7d: {  	v8 =	vmul.f32 $1.442695020e+00, v8;
	(erf) = vpow2.f32 v7;
	_ =	sdelay $0x1  }
0x7e: {  	(erf) = vpow2.f32 v8  }
0x7f: {  	v7 =	vpop (erf)  }
0x80: {  	v7 =	vadd.f32 $1.000000000e+00, v7;
	v8 =	vpop (erf)  }
0x81: {  	v11 =	vadd.f32 $1.000000000e+00, v8;
	v9 =	vpop (erf)  }
0x82: {  	v9 =	vadd.f32 $1.000000000e+00, v9;
	v10 =	vpop (erf);
	(erf) = vrcp.f32 v7  }
0x83: {  	v10 =	vadd.f32 $1.000000000e+00, v10;
	(erf) = vrcp.f32 v11  }
0x84: {  	v8 =	vpop (erf);
	(erf) = vrcp.f32 v9  }
0x85: {  	v9 =	vadd.f32 $1.000000000e+00, v8;
	(erf) = vrcp.f32 v10;
	v7 =	vpop (erf)  }
0x86: {  	v7 =	vadd.f32 $1.000000000e+00, v7  }
0x87: {  	(erf) = vrcp.f32 v9;
	v8 =	vpop (erf)  }
0x88: {  	v8 =	vadd.f32 $1.000000000e+00, v8;
	(erf) = vrcp.f32 v7;
	_ =	sdelay $0x1  }
0x89: {  	(erf) = vrcp.f32 v8  }
0x8a: {  	v7 =	vpop (erf)  }
0x8b: {  	v5 =	vmul.f32 v7, v5;
	v7 =	vpop (erf)  }
0x8c: {  	v8 =	vmul.f32 v7, v4;
	v7 =	vpop (erf)  }
0x8d: {  	v6 =	vmul.f32 v7, v6;
	v7 =	vpop (erf)  }
0x8e: {  	v3 =	vmul.f32 v7, v3  }
0x8f: {  	[tilespmem:s21+$0x8280] =	vst v8;
	v4 =	vpop (erf)  }
0x90: {  	v2 =	vmul.f32 v4, v2;
	[tilespmem:s21+$0x8100] =	vst v5;
	v4 =	vpop (erf)  }
0x91: {  	s22 =	sand.u32 $0x7, s20;
	[tilespmem:s21+$0x8080] =	vst v3;
	v0 =	vmul.f32 v4, v0  }
0x92: {  	s22 =	sshll.u32 s22, $0x4;
	[tilespmem:s21+$0x8180] =	vst v6;
	v3 =	vpop (erf)  }
0x93: {  	s22 =	sadd.s32 s22, s18;
	v1 =	vmul.f32 v3, v1;
	[tilespmem:s21+$0x8300] =	vst v0  }
0x94: {  	s22 =	sor.u32 $0x380, s22;
	[tilespmem:s21+$0x8000] =	vst v2  }
0x95: {  	[tilespmem:s21+$0x8200] =	vst v1  }
0x96: {  	v0 =	vld [tilespmem:s22+$0x0];
	_ =	sdelay $0x4  }
0x97: {  	v1 =	vmul.f32 v0, v0;
	_ =	sdelay $0x1  }
0x98: {  	v1 =	vmul.f32 $3.567740690e-02, v1  }
0x99: {  	v2 =	vadd.f32 v0, v0  }
0x9a: {  	v1 =	vadd.f32 $7.978845830e-01, v1;
	_ =	sdelay $0x1  }
0x9b: {  	v1 =	vmul.f32 v1, v2;
	_ =	sdelay $0x1  }
0x9c: {  	v1 =	vsub.f32 $0.0e+00, v1;
	_ =	sdelay $0x1  }
0x9d: {  	v1 =	vmul.f32 $1.442695020e+00, v1;
	_ =	sdelay $0x1  }
0x9e: {  	(erf) = vpow2.f32 v1;
	_ =	sdelay $0x7  }
.Ltmp2:
0x9f: {  	(pc) =	sbr.rel @p1 .LBB2_3-.Ltmp2, $3  }
0xa0: {  	v1 =	vpop (erf)  }
0xa1: {  	v1 =	vadd.f32 $1.000000000e+00, v1;
	_ =	sdelay $0x1  }
0xa2: {  	(erf) = vrcp.f32 v1  }
0xa3: {  	_ =	sdelay $0x7  }
0xa4: {  	v1 =	vpop (erf)  }
0xa5: {  	v0 =	vmul.f32 v1, v0;
	_ =	sdelay $0x1  }
0xa6: {  	s18 =	sadd.s32 s17, s5;
	[tilespmem:s22+$0x8000] =	vst v0  }
0xa7: {  	[hbm4b:s18+s2] =	stream.linear.scatter [tilespmem:s12], [sflag:$0x3], $0x4000, $0x38;
	[tilespmem:$0x10000] =	vst v63  }
0xa8: {  	s18 =	simm.s32 @!p0 $0x2  }
0xa9: {  	_ =	swait.ge @!p0 [sflag:s18], $0x4000  }
0xaa: {  	s19 =	simm.s32 @!p0 $0x4;
	[sflag:s18] =	ssyncset.done @!p0 $0x0  }
0xab: {  	s19 =	simm.s32 @p0 $0x2;
	[sflag:s18] =	ssyncadd.s32 @!p0 $0xFFFFC000;
	s18 =	simm.s32 @p0 $0x0  }
0xac: {  	[tilespmem:s18], [sflag:$0x1] =	stream.linear.gather @p0 [hbm4b:s6+s18], $0x4000, $0x38;
	[tilespmem:$0x10000] =	vst v63  }
0xad: {  	s18 =	simm.s32 $0x0;
	_ =	swait.ge [sflag:s19], $0x4000  }
0xae: {  	s20 =	sand.u32 $0x70, s18;
	s21 =	sand.u32 $0x3C00, s18;
	[sflag:s19] =	ssyncset.done $0x0  }
0xaf: {  	s30 =	sor.u32 s20, s21;
	[sflag:s19] =	ssyncadd.s32 $0xFFFFC000  }
0xb0: {  	v0 =	vld [tilespmem:s30+$0x4300]  }
0xb1: {  	v1 =	vld [tilespmem:s30+$0x4280]  }
0xb2: {  	v2 =	vld [tilespmem:s30+$0x4100]  }
0xb3: {  	v3 =	vld [tilespmem:s30+$0x4080]  }
0xb4: {  	v4 =	vld [tilespmem:s30+$0x4180]  }
0xb5: {  	v5 =	vld [tilespmem:s30+$0x4000];
	_ =	sdelay $0x2  }
0xb6: {  	v11 =	vld [tilespmem:s30+$0x4200];
	v6 =	vmul.f32 v0, v0;
	v7 =	vmul.f32 v1, v1  }
0xb7: {  	v8 =	vadd.f32 v0, v0;
	v9 =	vmul.f32 v2, v2;
	v10 =	vadd.f32 v1, v1  }
0xb8: {  	v12 =	vadd.f32 v3, v3;
	v14 =	vmul.f32 v4, v4;
	v15 =	vmul.f32 v5, v5  }
0xb9: {  	v13 =	vadd.f32 v2, v2;
	v16 =	vmul.f32 v3, v3;
	v9 =	vmul.f32 $3.567740690e-02, v9  }
0xba: {  	v42 =	vadd.f32 v4, v4;
	v45 =	vadd.f32 v5, v5;
	v7 =	vmul.f32 $3.567740690e-02, v7  }
0xbb: {  	v46 =	vmul.f32 v11, v11;
	v6 =	vmul.f32 $3.567740690e-02, v6;
	v9 =	vadd.f32 $7.978845830e-01, v9  }
0xbc: {  	v14 =	vmul.f32 $3.567740690e-02, v14;
	v41 =	vmul.f32 $3.567740690e-02, v16;
	v7 =	vadd.f32 $7.978845830e-01, v7  }
0xbd: {  	v44 =	vmul.f32 $3.567740690e-02, v15;
	v6 =	vadd.f32 $7.978845830e-01, v6;
	v9 =	vmul.f32 v9, v13  }
0xbe: {  	v48 =	vmul.f32 $3.567740690e-02, v46;
	v43 =	vadd.f32 $7.978845830e-01, v14;
	v7 =	vmul.f32 v7, v10  }
0xbf: {  	v14 =	vadd.f32 $7.978845830e-01, v44;
	v6 =	vmul.f32 v6, v8;
	v9 =	vsub.f32 $0.0e+00, v9  }
0xc0: {  	v8 =	vadd.f32 $7.978845830e-01, v41;
	v13 =	vmul.f32 v43, v42;
	v7 =	vsub.f32 $0.0e+00, v7  }
0xc1: {  	v10 =	vmul.f32 v14, v45;
	v9 =	vmul.f32 $1.442695020e+00, v9  }
0xc2: {  	v17 =	vadd.f32 v11, v11;
	v8 =	vmul.f32 v8, v12;
	v7 =	vmul.f32 $1.442695020e+00, v7  }
0xc3: {  	v47 =	vsub.f32 $0.0e+00, v13;
	v13 =	vadd.f32 $7.978845830e-01, v48;
	(erf) = vpow2.f32 v9  }
0xc4: {  	v8 =	vsub.f32 $0.0e+00, v8;
	(erf) = vpow2.f32 v7  }
0xc5: {  	v49 =	vsub.f32 $0.0e+00, v10;
	v12 =	vmul.f32 $1.442695020e+00, v47;
	v50 =	vmul.f32 v13, v17  }
0xc6: {  	v6 =	vsub.f32 $0.0e+00, v6;
	v8 =	vmul.f32 $1.442695020e+00, v8  }
0xc7: {  	v9 =	vmul.f32 $1.442695020e+00, v49;
	v7 =	vsub.f32 $0.0e+00, v50;
	(erf) = vpow2.f32 v12  }
0xc8: {  	v6 =	vmul.f32 $1.442695020e+00, v6;
	(erf) = vpow2.f32 v8  }
0xc9: {  	v7 =	vmul.f32 $1.442695020e+00, v7;
	(erf) = vpow2.f32 v9  }
0xca: {  	(erf) = vpow2.f32 v6  }
0xcb: {  	(erf) = vpow2.f32 v7  }
0xcc: {  	v51 =	vpop (erf)  }
0xcd: {  	v6 =	vadd.f32 $1.000000000e+00, v51;
	v52 =	vpop (erf)  }
0xce: {  	v7 =	vadd.f32 $1.000000000e+00, v52  }
0xcf: {  	(erf) = vrcp.f32 v6  }
0xd0: {  	v53 =	vpop (erf);
	(erf) = vrcp.f32 v7  }
0xd1: {  	v8 =	vadd.f32 $1.000000000e+00, v53;
	v54 =	vpop (erf)  }
0xd2: {  	v55 =	vadd.f32 $1.000000000e+00, v54;
	v56 =	vpop (erf)  }
0xd3: {  	(erf) = vrcp.f32 v8;
	v7 =	vadd.f32 $1.000000000e+00, v56;
	v57 =	vpop (erf)  }
0xd4: {  	(erf) = vrcp.f32 v55;
	v58 =	vadd.f32 $1.000000000e+00, v57;
	v59 =	vpop (erf)  }
0xd5: {  	(erf) = vrcp.f32 v7;
	v7 =	vadd.f32 $1.000000000e+00, v59  }
0xd6: {  	(erf) = vrcp.f32 v58  }
0xd7: {  	(erf) = vrcp.f32 v7  }
0xd8: {  	v60 =	vpop (erf)  }
0xd9: {  	v61 =	vpop (erf)  }
0xda: {  	v1 =	vmul.f32 v61, v1  }
0xdb: {  	v2 =	vmul.f32 v60, v2  }
0xdc: {  	v62 =	vpop (erf)  }
0xdd: {  	v63 =	vpop (erf);
	v4 =	vmul.f32 v62, v4;
	[tilespmem:s30+$0xC100] =	vst v2  }
0xde: {  	v3 =	vmul.f32 v63, v3;
	[tilespmem:s30+$0xC280] =	vst v1;
	v1 =	vpop (erf)  }
0xdf: {  	[tilespmem:s30+$0xC180] =	vst v4;
	v2 =	vpop (erf);
	v1 =	vmul.f32 v1, v5  }
0xe0: {  	s31 =	sand.u32 $0x7, s18;
	[tilespmem:s30+$0xC080] =	vst v3;
	v0 =	vmul.f32 v2, v0;
	v2 =	vpop (erf)  }
0xe1: {  	s20 =	sshll.u32 s31, $0x4;
	v2 =	vmul.f32 v2, v11;
	[tilespmem:s30+$0xC000] =	vst v1  }
0xe2: {  	s20 =	sadd.s32 $0x0, s20;
	[tilespmem:s30+$0xC300] =	vst v0  }
0xe3: {  	s22 =	sor.u32 $0x380, s20;
	[tilespmem:s30+$0xC200] =	vst v2  }
0xe4: {  	v0 =	vld [tilespmem:s22+$0x4000];
	_ =	sdelay $0x4  }
0xe5: {  	v1 =	vmul.f32 v0, v0;
	_ =	sdelay $0x1  }
0xe6: {  	v1 =	vmul.f32 $3.567740690e-02, v1;
	_ =	sdelay $0x1  }
0xe7: {  	v2 =	vadd.f32 v0, v0;
	v1 =	vadd.f32 $7.978845830e-01, v1;
	_ =	sdelay $0x1  }
0xe8: {  	v1 =	vmul.f32 v1, v2;
	_ =	sdelay $0x1  }
0xe9: {  	v1 =	vsub.f32 $0.0e+00, v1;
	_ =	sdelay $0x1  }
0xea: {  	v1 =	vmul.f32 $1.442695020e+00, v1;
	_ =	sdelay $0x1  }
0xeb: {  	(erf) = vpow2.f32 v1;
	_ =	sdelay $0x8  }
0xec: {  	v1 =	vpop (erf)  }
0xed: {  	v1 =	vadd.f32 $1.000000000e+00, v1;
	_ =	sdelay $0x1  }
0xee: {  	s19 =	simm.s32 $0x10;
	s20 =	simm.s32 $0x0;
	(erf) = vrcp.f32 v1  }
.LBB2_5:
0xef: {  	_ = 	snop  }
0xf0: {  	p1 =	sne.s32 s19, $0x7F0;
	s18 =	sadd.s32 $0x80, s18;
	s20 =	sadd.s32 $0x1, s20  }
0xf1: {  	s21 =	smov.u32 s19;
	s19 =	sadd.s32 $0x10, s19;
	_ =	sdelay $0x5  }
0xf2: {  	v1 =	vpop (erf)  }
0xf3: {  	v0 =	vmul.f32 v1, v0  }
0xf4: {  	s21 =	sand.u32 $0x70, s21;
	s23 =	sand.u32 $0x3C00, s18  }
0xf5: {  	s21 =	sor.u32 s21, s23;
	[tilespmem:s22+$0xC000] =	vst v0  }
0xf6: {  	v0 =	vld [tilespmem:s21+$0x4300]  }
0xf7: {  	v4 =	vld [tilespmem:s21+$0x4280]  }
0xf8: {  	v5 =	vld [tilespmem:s21+$0x4100]  }
0xf9: {  	v3 =	vld [tilespmem:s21+$0x4080]  }
0xfa: {  	v6 =	vld [tilespmem:s21+$0x4180]  }
0xfb: {  	v2 =	vld [tilespmem:s21+$0x4000];
	v7 =	vmul.f32 v0, v0  }
0xfc: {  	v9 =	vadd.f32 v0, v0;
	v1 =	vld [tilespmem:s21+$0x4200];
	v8 =	vmul.f32 v4, v4  }
0xfd: {  	v11 =	vadd.f32 v4, v4;
	v10 =	vmul.f32 v5, v5;
	v7 =	vmul.f32 $3.567740690e-02, v7  }
0xfe: {  	v13 =	vadd.f32 v5, v5;
	v12 =	vadd.f32 v3, v3;
	v8 =	vmul.f32 $3.567740690e-02, v8  }
0xff: {  	v10 =	vmul.f32 $3.567740690e-02, v10;
	v14 =	vmul.f32 v6, v6;
	v7 =	vadd.f32 $7.978845830e-01, v7  }
0x100: {  	v16 =	vmul.f32 v3, v3;
	v15 =	vmul.f32 v2, v2;
	v8 =	vadd.f32 $7.978845830e-01, v8  }
0x101: {  	v10 =	vadd.f32 $7.978845830e-01, v10;
	v14 =	vmul.f32 $3.567740690e-02, v14;
	v7 =	vmul.f32 v7, v9  }
0x102: {  	v9 =	vmul.f32 $3.567740690e-02, v16;
	v16 =	vadd.f32 v6, v6;
	v17 =	vadd.f32 v1, v1  }
0x103: {  	v18 =	vadd.f32 v2, v2;
	v10 =	vmul.f32 v10, v13;
	v13 =	vadd.f32 $7.978845830e-01, v14  }
0x104: {  	v8 =	vmul.f32 v8, v11;
	v14 =	vmul.f32 $3.567740690e-02, v15;
	v9 =	vadd.f32 $7.978845830e-01, v9  }
0x105: {  	v10 =	vsub.f32 $0.0e+00, v10;
	v11 =	vmul.f32 v13, v16;
	v13 =	vmul.f32 v1, v1  }
0x106: {  	v8 =	vsub.f32 $0.0e+00, v8;
	v14 =	vadd.f32 $7.978845830e-01, v14;
	v9 =	vmul.f32 v9, v12  }
0x107: {  	v10 =	vmul.f32 $1.442695020e+00, v10;
	v11 =	vsub.f32 $0.0e+00, v11;
	v12 =	vmul.f32 $3.567740690e-02, v13  }
0x108: {  	v8 =	vmul.f32 $1.442695020e+00, v8;
	v13 =	vmul.f32 v14, v18;
	v9 =	vsub.f32 $0.0e+00, v9  }
0x109: {  	v11 =	vmul.f32 $1.442695020e+00, v11;
	v12 =	vadd.f32 $7.978845830e-01, v12;
	(erf) = vpow2.f32 v10  }
0x10a: {  	v10 =	vsub.f32 $0.0e+00, v13;
	v9 =	vmul.f32 $1.442695020e+00, v9;
	(erf) = vpow2.f32 v8  }
0x10b: {  	v7 =	vsub.f32 $0.0e+00, v7;
	v8 =	vmul.f32 v12, v17;
	(erf) = vpow2.f32 v11  }
0x10c: {  	v10 =	vmul.f32 $1.442695020e+00, v10;
	(erf) = vpow2.f32 v9  }
0x10d: {  	v7 =	vmul.f32 $1.442695020e+00, v7;
	v8 =	vsub.f32 $0.0e+00, v8  }
0x10e: {  	(erf) = vpow2.f32 v10  }
0x10f: {  	v8 =	vmul.f32 $1.442695020e+00, v8;
	(erf) = vpow2.f32 v7;
	_ =	sdelay $0x1  }
0x110: {  	(erf) = vpow2.f32 v8  }
0x111: {  	v7 =	vpop (erf)  }
0x112: {  	v7 =	vadd.f32 $1.000000000e+00, v7;
	v8 =	vpop (erf)  }
0x113: {  	v11 =	vadd.f32 $1.000000000e+00, v8;
	v9 =	vpop (erf)  }
0x114: {  	v9 =	vadd.f32 $1.000000000e+00, v9;
	v10 =	vpop (erf);
	(erf) = vrcp.f32 v7  }
0x115: {  	v10 =	vadd.f32 $1.000000000e+00, v10;
	(erf) = vrcp.f32 v11  }
0x116: {  	v8 =	vpop (erf);
	(erf) = vrcp.f32 v9  }
0x117: {  	v9 =	vadd.f32 $1.000000000e+00, v8;
	(erf) = vrcp.f32 v10;
	v7 =	vpop (erf)  }
0x118: {  	v7 =	vadd.f32 $1.000000000e+00, v7  }
0x119: {  	(erf) = vrcp.f32 v9;
	v8 =	vpop (erf)  }
0x11a: {  	v8 =	vadd.f32 $1.000000000e+00, v8;
	(erf) = vrcp.f32 v7;
	_ =	sdelay $0x1  }
0x11b: {  	(erf) = vrcp.f32 v8  }
0x11c: {  	v7 =	vpop (erf)  }
0x11d: {  	v5 =	vmul.f32 v7, v5;
	v7 =	vpop (erf)  }
0x11e: {  	v8 =	vmul.f32 v7, v4;
	v7 =	vpop (erf)  }
0x11f: {  	v6 =	vmul.f32 v7, v6;
	v7 =	vpop (erf)  }
0x120: {  	v3 =	vmul.f32 v7, v3  }
0x121: {  	[tilespmem:s21+$0xC280] =	vst v8;
	v4 =	vpop (erf)  }
0x122: {  	v2 =	vmul.f32 v4, v2;
	[tilespmem:s21+$0xC100] =	vst v5;
	v4 =	vpop (erf)  }
0x123: {  	s22 =	sand.u32 $0x7, s20;
	[tilespmem:s21+$0xC080] =	vst v3;
	v0 =	vmul.f32 v4, v0  }
0x124: {  	s22 =	sshll.u32 s22, $0x4;
	[tilespmem:s21+$0xC180] =	vst v6;
	v3 =	vpop (erf)  }
0x125: {  	s22 =	sadd.s32 s22, s18;
	v1 =	vmul.f32 v3, v1;
	[tilespmem:s21+$0xC300] =	vst v0  }
0x126: {  	s22 =	sor.u32 $0x380, s22;
	[tilespmem:s21+$0xC000] =	vst v2  }
0x127: {  	[tilespmem:s21+$0xC200] =	vst v1  }
0x128: {  	v0 =	vld [tilespmem:s22+$0x4000];
	_ =	sdelay $0x4  }
0x129: {  	v1 =	vmul.f32 v0, v0;
	_ =	sdelay $0x1  }
0x12a: {  	v1 =	vmul.f32 $3.567740690e-02, v1  }
0x12b: {  	v2 =	vadd.f32 v0, v0  }
0x12c: {  	v1 =	vadd.f32 $7.978845830e-01, v1;
	_ =	sdelay $0x1  }
0x12d: {  	v1 =	vmul.f32 v1, v2;
	_ =	sdelay $0x1  }
0x12e: {  	v1 =	vsub.f32 $0.0e+00, v1;
	_ =	sdelay $0x1  }
0x12f: {  	v1 =	vmul.f32 $1.442695020e+00, v1;
	_ =	sdelay $0x1  }
0x130: {  	(erf) = vpow2.f32 v1;
	_ =	sdelay $0x7  }
.Ltmp3:
0x131: {  	(pc) =	sbr.rel @p1 .LBB2_5-.Ltmp3, $3  }
0x132: {  	v1 =	vpop (erf)  }
0x133: {  	v1 =	vadd.f32 $1.000000000e+00, v1;
	_ =	sdelay $0x1  }
0x134: {  	(erf) = vrcp.f32 v1  }
0x135: {  	_ =	sdelay $0x7  }
.Ltmp4:
0x136: {  	v1 =	vpop (erf);
	(pc) =	sbr.rel @!p0 .LBB2_8-.Ltmp4, $3  }
0x137: {  	v0 =	vmul.f32 v1, v0;
	_ =	sdelay $0x1  }
0x138: {  	s17 =	sadd.s32 s9, s17;
	[tilespmem:s22+$0xC000] =	vst v0  }
0x139: {  	[hbm4b:s17+s2] =	stream.linear.scatter [tilespmem:s13], [sflag:$0x4], $0x4000, $0x38;
	[tilespmem:$0x10000] =	vst v63  }
.Ltmp5:
0x13a: {  	(pc) =	sbr.rel .LBB2_2-.Ltmp5, $3  }
0x13b: {  	_ =	sdelay $0x1  }
0x13c: {  	s17 =	simm.s32 $0x1000  }
0x13d: {  	p0 =	por $0x0, $0x0;
	p1 =	por $0x1, $0x1;
	s18 =	smov.u32 s7  }
.LBB2_9:
0x13e: {  	_ =	sfence.sel $0x180000  }
0x13f: {  	[bflag:$0x0] =	sbarrier.arrive $0xFFFF  }
0x140: {  	p0 =	sne.s32 s1, $0x0;
	_ =	strace $0x90000047  }
0x141: {  	s0 =	sadd.s32 @!p0 $0x100000, s0;
	[bflag:$0x2] =	sbarrier.arrive $0xFFFF  }
0x142: {  	[sflag:s0] =	ssyncadd.tile.s32 @!p0 $0x1;
	_ =	shalt  }
.Lfunc_end2:
_tile_overlayer_lowered:
.L_overlay_start_2:
0x143: {  	(tag) =	ssettag $0x2  }
0x144: {  	s0 =	rddreg [dreg:$0x0];
	s2 =	stileid.u32  }
0x145: {  	s1 =	rddreg [dreg:$0x1];
	p0 =	sne.s32 s2, $0x0  }
0x146: {  	s3 =	rddreg [dreg:$0x2];
	[bflag:$0x3] =	sbarrier.arrive $0xFFFF;
	s2 =	simm.s32 @!p0 $0x1C05  }
0x147: {  	[timem:s3], [sflag:s2] =	dma.local @!p0 [hbm:s0], s1  }
0x148: {  	s0 =	simm.s32 @!p0 $0x5  }
0x149: {  	_ =	swait.ge @!p0 [sflag:s0], s1  }
0x14a: {  	s1 =	ssub.s32 @!p0 $0x0, s1;
	[sflag:s0] =	ssyncset.done @!p0 $0x0  }
0x14b: {  	[sflag:s0] =	ssyncadd.s32 @!p0 s1  }
0x14c: {  	[bflag:$0x3] =	sbarrier.arrive $0xFFFF  }
0x14d: {  	_ =	shalt  }

</sc_bundles>
